<compile_context>
chip_gen: v7x
topology: tpu7x:2x2x1
jax: 0.10.2.dev20260603
libtpu: 0.0.44.dev20260713+nightly
codegen_flags: <defaults>
</compile_context>

<pallas_src>
import functools

import jax
import jax.numpy as jnp
from jax import lax
from jax.experimental import pallas as pl
from jax.experimental.pallas import tpu as pltpu
from jax.experimental.pallas import tpu_sc as plsc

D = 256
K = 8192
N = 16 * 576

BN = 1024
NN = N // BN
CH = 1024
NCH = K // CH

_INF = float("inf")


def _norms_body(x_ref, a2_ref):
    x = x_ref[...]
    a2_ref[0, :] = jnp.sum(x * x, axis=1)


_norms_call = pl.pallas_call(
    _norms_body,
    out_shape=jax.ShapeDtypeStruct((1, N), jnp.float32),
)


def _preimage_threshold(m2):
    m2c = jnp.maximum(m2, 0.0)
    sk = jnp.sqrt(m2c)
    s_next = lax.bitcast_convert_type(
        lax.bitcast_convert_type(sk, jnp.int32) + 1, jnp.float32)
    pb = lax.bitcast_convert_type(sk * s_next, jnp.int32)
    t = jnp.zeros_like(m2c)
    for db in (-1, 0, 1):
        c = lax.bitcast_convert_type(jnp.maximum(pb + db, 0), jnp.float32)
        t = jnp.where(jnp.sqrt(c) == sk, c, t)
    return jnp.maximum(t, m2c), sk


def _argmin_body(x_ref, cb_ref, a2_ref, out_ref, rowf_s, b2_s):
    n = pl.program_id(0)

    @pl.when(n == 0)
    def _prologue():
        rowf_s[...] = lax.broadcasted_iota(jnp.int32, (CH, BN), 0).astype(
            jnp.float32)
        cb = cb_ref[...]
        b2_s[:, 0] = jnp.sum(cb * cb, axis=1)

    x2 = x_ref[...] * 2.0
    a2 = a2_ref[...]

    best_s = jnp.full((BN,), _INF, dtype=jnp.float32)
    best_i = jnp.zeros((BN,), dtype=jnp.float32)
    for j in range(NCH):
        cbj = cb_ref[pl.ds(j * CH, CH), :]
        s2 = lax.dot_general(cbj, x2, (((1,), (1,)), ((), ())),
                             preferred_element_type=jnp.float32)
        b2j = b2_s[pl.ds(j * CH, CH), :]
        vj = a2 + b2j - s2
        mj = jnp.min(vj, axis=0)
        tj, skj = _preimage_threshold(mj)
        lij = jnp.min(jnp.where(vj <= tj[None, :], rowf_s[...], _INF),
                      axis=0)
        upd = skj < best_s
        best_i = jnp.where(upd, lij + jnp.float32(j * CH), best_i)
        best_s = jnp.where(upd, skj, best_s)

    out_ref[0, 0, :] = best_i.astype(jnp.int32)


_argmin_call = pl.pallas_call(
    _argmin_body,
    grid=(NN,),
    in_specs=[
        pl.BlockSpec((BN, D), lambda n: (n, 0)),
        pl.BlockSpec((K, D), lambda n: (0, 0)),
        pl.BlockSpec((1, BN), lambda n: (0, n)),
    ],
    out_specs=pl.BlockSpec((1, 1, BN), lambda n: (n, 0, 0)),
    out_shape=jax.ShapeDtypeStruct((NN, 1, BN), jnp.int32),
    scratch_shapes=[
        pltpu.VMEM((CH, BN), jnp.float32),
        pltpu.VMEM((K, 1), jnp.float32),
    ],
    compiler_params=pltpu.CompilerParams(
        dimension_semantics=("arbitrary",),
    ),
)


_NW = 32
_BPW = N // _NW


def _gather_body(table_hbm, idx_hbm, out_hbm, idx_v, rows_v, sem):
    wid = lax.axis_index("s") * 2 + lax.axis_index("c")
    base = wid * _BPW
    pltpu.sync_copy(idx_hbm.at[pl.ds(base, _BPW)], idx_v)
    pltpu.async_copy(table_hbm.at[idx_v], rows_v, sem).wait()
    pltpu.sync_copy(rows_v, out_hbm.at[pl.ds(base, _BPW)])


@functools.cache
def _gather_call():
    return functools.partial(
        pl.kernel,
        out_type=jax.ShapeDtypeStruct((N, D), jnp.float32),
        mesh=plsc.VectorSubcoreMesh(core_axis_name="c", subcore_axis_name="s"),
        scratch_types=[
            pltpu.VMEM((_BPW,), jnp.int32),
            pltpu.VMEM((_BPW, D), jnp.float32),
            pltpu.SemaphoreType.DMA,
        ],
    )(_gather_body)


def kernel(x, codebook):
    xf = x.reshape(N, D)
    a2 = _norms_call(xf)
    idx_blocks = _argmin_call(xf, codebook, a2)
    indices = idx_blocks.reshape(N)
    codes = _gather_call()(codebook, indices)
    idx_shape = list(x.shape)
    idx_shape[-1] = 1
    return codes.reshape(x.shape), indices.reshape(idx_shape)

# --- scband reference (transcript-rebuilt; emitter-appended) ---
"""Pipeline reference for scband-vq-28432683500141 (READ-ONLY COPY).

The authoritative reference and input builder live on the scoring server;
editing this copy changes nothing except your own understanding.
"""

import jax, jax.numpy as jnp
import numpy as np

LATENT_DIM = 256
NUM_TOKENS = 8192
COMMITMENT = 0.25


def setup_inputs(seed: int = 0) -> dict:
    key = jax.random.key(seed)
    kx, kc = jax.random.split(key)
    x = jax.random.normal(kx, (16, 576, LATENT_DIM), dtype=jnp.float32)
    # nn.Embedding weight initialized with normal(0, 1.1)
    codebook = jax.random.normal(kc, (NUM_TOKENS, LATENT_DIM), dtype=jnp.float32) * 1.1
    return {"x": x, "codebook": codebook}


def _cdist(a, b):
    # euclidean distance matrix without materializing [N, K, D]
    a2 = jnp.sum(a * a, axis=-1, keepdims=True)            # [N, 1]
    b2 = jnp.sum(b * b, axis=-1)[None, :]                  # [1, K]
    d2 = a2 + b2 - 2.0 * (a @ b.T)
    return jnp.sqrt(jnp.maximum(d2, 0.0))


def _compute_indices(inputs_flat, codebook):
    # torch code chunks in blocks of 10000 purely for memory; math identical
    d = _cdist(inputs_flat, codebook)
    return jnp.argmin(d, axis=-1)


def reference(x, codebook):
    # dim = -1 -> transpose(-1, -1) is a no-op
    code_dim = x.shape[-1]
    inputs_flat = x.reshape(-1, code_dim)
    indices = _compute_indices(inputs_flat, codebook)      # [N]
    codes = jnp.take(codebook, indices, axis=0)            # [N, D]
    codes = codes.reshape(x.shape)
    idx_shape = list(x.shape)
    idx_shape[-1] = 1
    indices_out = indices.reshape(idx_shape)
    return (codes, indices_out)

if __name__ == "__main__":
    import jax
    _d = setup_inputs()
    print(jax.jit(kernel)(*tuple(_d.values())))

</pallas_src>

<mosaic_0001>
#map = affine_map<(d0, d1) -> (0, 0)>
#map1 = affine_map<(d0, d1) -> (0)>
module attributes {stable_mosaic.version = 14 : i64} {
  func.func @_gather_body(%arg0: i32, %arg1: i32, %arg2: memref<8192x256xf32, #tpu.memory_space<hbm>>, %arg3: memref<9216xi32, #tpu.memory_space<hbm>>, %arg4: memref<9216x256xf32, #tpu.memory_space<hbm>>, %arg5: memref<288xi32, #tpu.memory_space<vmem>>, %arg6: memref<288x256xf32, #tpu.memory_space<vmem>>, %arg7: memref<!tpu.dma_semaphore, #tpu.memory_space<semaphore_mem>>) attributes {dimension_semantics = [#tpu.dimension_semantics<core_parallel>, #tpu.dimension_semantics<subcore_parallel>], iteration_bounds = array<i64: 2, 16>, scalar_prefetch = 0 : i64, scratch_operands = 3 : i64, tpu.core_type = #tpu.core_type<sc_vector_subcore>, window_params = [{transform_indices = #map}, {transform_indices = #map1}, {transform_indices = #map}]} {
    %mul3A = arith.constant 2 : i32
    %mul3A_0 = arith.muli %arg1, %mul3A : i32
    %add3A = arith.addi %mul3A_0, %arg0 : i32
    %mul3A_1 = arith.constant 288 : i32
    %mul3A_2 = arith.muli %add3A, %mul3A_1 : i32
    "tpu.region"() ({
      %run_scoped3A = tpu.sem_alloc : memref<!tpu.dma_semaphore, #tpu.memory_space<semaphore_mem>>
      %dma_start3A_7 = tpu.memref_slice %arg3[%mul3A_2] : memref<9216xi32, #tpu.memory_space<hbm>> -> memref<288xi32, #tpu.memory_space<hbm>>
      %dma_start3A_8 = tpu.memref_slice %arg3[%mul3A_2] : memref<9216xi32, #tpu.memory_space<hbm>> -> memref<288xi32, #tpu.memory_space<hbm>>
      tpu.enqueue_dma source(%dma_start3A_8 : memref<288xi32, #tpu.memory_space<hbm>>) target(%arg5 : memref<288xi32, #tpu.memory_space<vmem>>) target_semaphore(%run_scoped3A : memref<!tpu.dma_semaphore, #tpu.memory_space<semaphore_mem>>)
      %dma_wait3A_9 = tpu.memref_slice %arg3[%mul3A_2] : memref<9216xi32, #tpu.memory_space<hbm>> -> memref<288xi32, #tpu.memory_space<hbm>>
      %dma_wait3A_10 = tpu.memref_slice %arg3[%mul3A_2] : memref<9216xi32, #tpu.memory_space<hbm>> -> memref<288xi32, #tpu.memory_space<hbm>>
      tpu.wait_dma2 semaphore(%run_scoped3A : memref<!tpu.dma_semaphore, #tpu.memory_space<semaphore_mem>>) src(%dma_wait3A_10 : memref<288xi32, #tpu.memory_space<hbm>>) dst(%arg5 : memref<288xi32, #tpu.memory_space<vmem>>)
      tpu.yield
    }) : () -> ()
    %dma_start3A = arith.constant 0 : i32
    %dma_start3A_3 = arith.constant 0 : i32
    %dma_start3A_4 = tpu.memref_slice %arg2[%dma_start3A, %dma_start3A_3] : memref<8192x256xf32, #tpu.memory_space<hbm>> -> memref<8192x256xf32, #tpu.memory_space<hbm>>
    tpu.enqueue_indirect_dma source(%dma_start3A_4 : memref<8192x256xf32, #tpu.memory_space<hbm>>) target(%arg6 : memref<288x256xf32, #tpu.memory_space<vmem>>) offsets(%arg5 : memref<288xi32, #tpu.memory_space<vmem>>) semaphore(%arg7 : memref<!tpu.dma_semaphore, #tpu.memory_space<semaphore_mem>>)
    %dma_wait3A = arith.constant 0 : i32
    %dma_wait3A_5 = arith.constant 0 : i32
    %dma_wait3A_6 = tpu.memref_slice %arg2[%dma_wait3A, %dma_wait3A_5] : memref<8192x256xf32, #tpu.memory_space<hbm>> -> memref<8192x256xf32, #tpu.memory_space<hbm>>
    tpu.wait_indirect_dma semaphore(%arg7 : memref<!tpu.dma_semaphore, #tpu.memory_space<semaphore_mem>>) src(%dma_wait3A_6 : memref<8192x256xf32, #tpu.memory_space<hbm>>) dst(%arg6 : memref<288x256xf32, #tpu.memory_space<vmem>>)
    "tpu.region"() ({
      %run_scoped3A = tpu.sem_alloc : memref<!tpu.dma_semaphore, #tpu.memory_space<semaphore_mem>>
      %dma_start3A_7 = arith.constant 0 : i32
      %dma_start3A_8 = tpu.memref_slice %arg4[%mul3A_2, %dma_start3A_7] : memref<9216x256xf32, #tpu.memory_space<hbm>> -> memref<288x256xf32, #tpu.memory_space<hbm>>
      %dma_start3A_9 = arith.constant 0 : i32
      %dma_start3A_10 = tpu.memref_slice %arg4[%mul3A_2, %dma_start3A_9] : memref<9216x256xf32, #tpu.memory_space<hbm>> -> memref<288x256xf32, #tpu.memory_space<hbm>>
      tpu.enqueue_dma source(%arg6 : memref<288x256xf32, #tpu.memory_space<vmem>>) target(%dma_start3A_10 : memref<288x256xf32, #tpu.memory_space<hbm>>) target_semaphore(%run_scoped3A : memref<!tpu.dma_semaphore, #tpu.memory_space<semaphore_mem>>)
      %dma_wait3A_11 = arith.constant 0 : i32
      %dma_wait3A_12 = tpu.memref_slice %arg4[%mul3A_2, %dma_wait3A_11] : memref<9216x256xf32, #tpu.memory_space<hbm>> -> memref<288x256xf32, #tpu.memory_space<hbm>>
      %dma_wait3A_13 = arith.constant 0 : i32
      %dma_wait3A_14 = tpu.memref_slice %arg4[%mul3A_2, %dma_wait3A_13] : memref<9216x256xf32, #tpu.memory_space<hbm>> -> memref<288x256xf32, #tpu.memory_space<hbm>>
      tpu.wait_dma2 semaphore(%run_scoped3A : memref<!tpu.dma_semaphore, #tpu.memory_space<semaphore_mem>>) src(%arg6 : memref<288x256xf32, #tpu.memory_space<vmem>>) dst(%dma_wait3A_14 : memref<288x256xf32, #tpu.memory_space<hbm>>)
      tpu.yield
    }) : () -> ()
    return
  }
}

module attributes {stable_mosaic.version = 14 : i64} {
  func.func @_norms_body(%arg0: memref<9216x256xf32, #tpu.memory_space<vmem>>, %arg1: memref<1x9216xf32, #tpu.memory_space<vmem>>) attributes {dimension_semantics = [], scalar_prefetch = 0 : i64, scratch_operands = 0 : i64, tpu.core_type = #tpu.core_type<tc>} {
    %get3A = arith.constant 0 : index
    %get3A_0 = arith.constant 0 : index
    %get3A_1 = vector.load %arg0[%get3A, %get3A_0] : memref<9216x256xf32, #tpu.memory_space<vmem>>, vector<9216x256xf32>
    %mul3A = arith.mulf %get3A_1, %get3A_1 : vector<9216x256xf32>
    %reduce_sum3A = arith.constant dense<0.000000e+00> : vector<9216xf32>
    %reduce_sum3A_2 = vector.multi_reduction <add>, %mul3A, %reduce_sum3A [1] : vector<9216x256xf32> to vector<9216xf32>
    %swap3A = arith.constant 0 : index
    %swap3A_3 = arith.constant 0 : index
    %swap3A_4 = vector.load %arg1[%swap3A, %swap3A_3] : memref<1x9216xf32, #tpu.memory_space<vmem>>, vector<1x9216xf32>
    %swap3A_5 = vector.shape_cast %swap3A_4 : vector<1x9216xf32> to vector<9216xf32>
    %swap3A_6 = vector.shape_cast %reduce_sum3A_2 : vector<9216xf32> to vector<1x9216xf32>
    tpu.vector_store %arg1[%swap3A, %swap3A_3], %swap3A_6 {strides = array<i32>} : memref<1x9216xf32, #tpu.memory_space<vmem>>, vector<1x9216xf32>,
    return
  }
}

module attributes {stable_mosaic.version = 14 : i64} {
  func.func @_argmin_body(%arg0: i32, %arg1: memref<1024x256xf32, #tpu.memory_space<vmem>>, %arg2: memref<8192x256xf32, #tpu.memory_space<vmem>>, %arg3: memref<1x1024xf32, #tpu.memory_space<vmem>>, %arg4: memref<1x1x1024xi32, #tpu.memory_space<vmem>>, %arg5: memref<1024x1024xf32, #tpu.memory_space<vmem>>, %arg6: memref<8192x1xf32, #tpu.memory_space<vmem>>) attributes {dimension_semantics = [#tpu.dimension_semantics<arbitrary>], iteration_bounds = array<i64: 9>, scalar_prefetch = 0 : i64, scratch_operands = 2 : i64, tpu.core_type = #tpu.core_type<tc>, window_params = [{transform_indices = @transform_0, window_bounds = array<i64: 1024, 256>}, {pipeline_mode = #tpu.pipeline_mode<synchronous>, transform_indices = @transform_1, window_bounds = array<i64: 8192, 256>}, {transform_indices = @transform_2, window_bounds = array<i64: 1, 1024>}, {transform_indices = @transform_3, window_bounds = array<i64: 1, 1, 1024>}]} {
    %eq3A = arith.constant 0 : i32
    %eq3A_0 = arith.cmpi eq, %arg0, %eq3A : i32
    %convert_element_type3A = arith.extui %eq3A_0 : i1 to i32
    %cond3A = arith.constant 0 : i32
    %cond3A_1 = arith.cmpi ne, %convert_element_type3A, %cond3A : i32
    scf.if %cond3A_1 {
      %iota3A = tpu.iota {dimensions = array<i32: 0>} : vector<1024x1024xi32>
      %convert_element_type3A_606 = arith.sitofp %iota3A : vector<1024x1024xi32> to vector<1024x1024xf32>
      %swap3A_607 = arith.constant 0 : index
      %swap3A_608 = arith.constant 0 : index
      %swap3A_609 = vector.load %arg5[%swap3A_607, %swap3A_608] : memref<1024x1024xf32, #tpu.memory_space<vmem>>, vector<1024x1024xf32>
      tpu.vector_store %arg5[%swap3A_607, %swap3A_608], %convert_element_type3A_606 {strides = array<i32>} : memref<1024x1024xf32, #tpu.memory_space<vmem>>, vector<1024x1024xf32>,
      %get3A_610 = arith.constant 0 : index
      %get3A_611 = arith.constant 0 : index
      %get3A_612 = vector.load %arg2[%get3A_610, %get3A_611] : memref<8192x256xf32, #tpu.memory_space<vmem>>, vector<8192x256xf32>
      %mul3A_613 = arith.mulf %get3A_612, %get3A_612 : vector<8192x256xf32>
      %reduce_sum3A = arith.constant dense<0.000000e+00> : vector<8192xf32>
      %reduce_sum3A_614 = vector.multi_reduction <add>, %mul3A_613, %reduce_sum3A [1] : vector<8192x256xf32> to vector<8192xf32>
      %swap3A_615 = arith.constant 0 : index
      %swap3A_616 = arith.constant 0 : index
      %swap3A_617 = vector.load %arg6[%swap3A_615, %swap3A_616] : memref<8192x1xf32, #tpu.memory_space<vmem>>, vector<8192x1xf32>
      %swap3A_618 = vector.shape_cast %swap3A_617 : vector<8192x1xf32> to vector<8192xf32>
      %swap3A_619 = vector.shape_cast %reduce_sum3A_614 : vector<8192xf32> to vector<8192x1xf32>
      tpu.vector_store %arg6[%swap3A_615, %swap3A_616], %swap3A_619 {strides = array<i32>} : memref<8192x1xf32, #tpu.memory_space<vmem>>, vector<8192x1xf32>,
    } else {
    }
    %get3A = arith.constant 0 : index
    %get3A_2 = arith.constant 0 : index
    %get3A_3 = vector.load %arg1[%get3A, %get3A_2] : memref<1024x256xf32, #tpu.memory_space<vmem>>, vector<1024x256xf32>
    %mul3A = arith.constant 2.000000e+00 : f32
    %mul3A_4 = vector.broadcast %mul3A : f32 to vector<1024x256xf32>
    %mul3A_5 = arith.mulf %get3A_3, %mul3A_4 : vector<1024x256xf32>
    %get3A_6 = arith.constant 0 : index
    %get3A_7 = arith.constant 0 : index
    %get3A_8 = vector.load %arg3[%get3A_6, %get3A_7] : memref<1x1024xf32, #tpu.memory_space<vmem>>, vector<1x1024xf32>
    %broadcast_in_dim3A = arith.constant 0x7F800000 : f32
    %broadcast_in_dim3A_9 = vector.broadcast %broadcast_in_dim3A : f32 to vector<1024xf32>
    %broadcast_in_dim3A_10 = arith.constant 0.000000e+00 : f32
    %broadcast_in_dim3A_11 = vector.broadcast %broadcast_in_dim3A_10 : f32 to vector<1024xf32>
    %get3A_12 = arith.constant 0 : index
    %get3A_13 = arith.constant 0 : index
    %get3A_14 = vector.load %arg2[%get3A_12, %get3A_13] : memref<8192x256xf32, #tpu.memory_space<vmem>>, vector<1024x256xf32>
    %dot_general3A = arith.constant dense<0.000000e+00> : vector<1024x1024xf32>
    %dot_general3A_15 = tpu.matmul %get3A_14, %mul3A_5, %dot_general3A {dimension_numbers = #tpu.dot_dimension_numbers<[1], [1], [0], [0], [0, 0, 1, 0], [], []>, transpose_lhs_hint = false} : vector<1024x256xf32>, vector<1024x256xf32>, vector<1024x1024xf32> -> vector<1024x1024xf32>
    %get3A_16 = arith.constant 0 : index
    %get3A_17 = arith.constant 0 : index
    %get3A_18 = vector.load %arg6[%get3A_16, %get3A_17] : memref<8192x1xf32, #tpu.memory_space<vmem>>, vector<1024x1xf32>
    %add3A = vector.broadcast %get3A_8 : vector<1x1024xf32> to vector<1024x1024xf32>
    %add3A_19 = vector.broadcast %get3A_18 : vector<1024x1xf32> to vector<1024x1024xf32>
    %add3A_20 = arith.addf %add3A, %add3A_19 : vector<1024x1024xf32>
    %sub3A = arith.subf %add3A_20, %dot_general3A_15 : vector<1024x1024xf32>
    %reduce_min3A = arith.constant dense<0x7F800000> : vector<1024xf32>
    %reduce_min3A_21 = vector.multi_reduction <minimumf>, %sub3A, %reduce_min3A [0] : vector<1024x1024xf32> to vector<1024xf32>
    %max3A = arith.constant 0.000000e+00 : f32
    %max3A_22 = vector.broadcast %max3A : f32 to vector<1024xf32>
    %max3A_23 = arith.maximumf %reduce_min3A_21, %max3A_22 : vector<1024xf32>
    %sqrt3A = math.sqrt %max3A_23 : vector<1024xf32>
    %bitcast_convert_type3A = tpu.bitcast %sqrt3A : vector<1024xf32> -> vector<1024xi32>
    %add3A_24 = arith.constant 1 : i32
    %add3A_25 = vector.broadcast %add3A_24 : i32 to vector<1024xi32>
    %add3A_26 = arith.addi %bitcast_convert_type3A, %add3A_25 : vector<1024xi32>
    %bitcast_convert_type3A_27 = tpu.bitcast %add3A_26 : vector<1024xi32> -> vector<1024xf32>
    %mul3A_28 = arith.mulf %sqrt3A, %bitcast_convert_type3A_27 : vector<1024xf32>
    %bitcast_convert_type3A_29 = tpu.bitcast %mul3A_28 : vector<1024xf32> -> vector<1024xi32>
    %broadcast_in_dim3A_30 = arith.constant 0.000000e+00 : f32
    %broadcast_in_dim3A_31 = vector.broadcast %broadcast_in_dim3A_30 : f32 to vector<1024xf32>
    %add3A_32 = arith.constant -1 : i32
    %add3A_33 = vector.broadcast %add3A_32 : i32 to vector<1024xi32>
    %add3A_34 = arith.addi %bitcast_convert_type3A_29, %add3A_33 : vector<1024xi32>
    %max3A_35 = arith.constant 0 : i32
    %max3A_36 = vector.broadcast %max3A_35 : i32 to vector<1024xi32>
    %max3A_37 = arith.maxsi %add3A_34, %max3A_36 : vector<1024xi32>
    %bitcast_convert_type3A_38 = tpu.bitcast %max3A_37 : vector<1024xi32> -> vector<1024xf32>
    %sqrt3A_39 = math.sqrt %bitcast_convert_type3A_38 : vector<1024xf32>
    %eq3A_40 = arith.cmpf oeq, %sqrt3A_39, %sqrt3A : vector<1024xf32>
    %select_n3A = arith.select %eq3A_40, %bitcast_convert_type3A_38, %broadcast_in_dim3A_31 : vector<1024xi1>, vector<1024xf32>
    %add3A_41 = arith.constant 0 : i32
    %add3A_42 = vector.broadcast %add3A_41 : i32 to vector<1024xi32>
    %add3A_43 = arith.addi %bitcast_convert_type3A_29, %add3A_42 : vector<1024xi32>
    %max3A_44 = arith.constant 0 : i32
    %max3A_45 = vector.broadcast %max3A_44 : i32 to vector<1024xi32>
    %max3A_46 = arith.maxsi %add3A_43, %max3A_45 : vector<1024xi32>
    %bitcast_convert_type3A_47 = tpu.bitcast %max3A_46 : vector<1024xi32> -> vector<1024xf32>
    %sqrt3A_48 = math.sqrt %bitcast_convert_type3A_47 : vector<1024xf32>
    %eq3A_49 = arith.cmpf oeq, %sqrt3A_48, %sqrt3A : vector<1024xf32>
    %select_n3A_50 = arith.select %eq3A_49, %bitcast_convert_type3A_47, %select_n3A : vector<1024xi1>, vector<1024xf32>
    %add3A_51 = arith.constant 1 : i32
    %add3A_52 = vector.broadcast %add3A_51 : i32 to vector<1024xi32>
    %add3A_53 = arith.addi %bitcast_convert_type3A_29, %add3A_52 : vector<1024xi32>
    %max3A_54 = arith.constant 0 : i32
    %max3A_55 = vector.broadcast %max3A_54 : i32 to vector<1024xi32>
    %max3A_56 = arith.maxsi %add3A_53, %max3A_55 : vector<1024xi32>
    %bitcast_convert_type3A_57 = tpu.bitcast %max3A_56 : vector<1024xi32> -> vector<1024xf32>
    %sqrt3A_58 = math.sqrt %bitcast_convert_type3A_57 : vector<1024xf32>
    %eq3A_59 = arith.cmpf oeq, %sqrt3A_58, %sqrt3A : vector<1024xf32>
    %select_n3A_60 = arith.select %eq3A_59, %bitcast_convert_type3A_57, %select_n3A_50 : vector<1024xi1>, vector<1024xf32>
    %max3A_61 = arith.maximumf %select_n3A_60, %max3A_23 : vector<1024xf32>
    %broadcast_in_dim3A_62 = vector.shape_cast %max3A_61 : vector<1024xf32> to vector<1x1024xf32>
    %le3A = vector.broadcast %broadcast_in_dim3A_62 : vector<1x1024xf32> to vector<1024x1024xf32>
    %le3A_63 = arith.cmpf ole, %sub3A, %le3A : vector<1024x1024xf32>
    %get3A_64 = arith.constant 0 : index
    %get3A_65 = arith.constant 0 : index
    %get3A_66 = vector.load %arg5[%get3A_64, %get3A_65] : memref<1024x1024xf32, #tpu.memory_space<vmem>>, vector<1024x1024xf32>
    %jit3A = arith.constant 0x7F800000 : f32
    %broadcast_in_dim3A_67 = vector.broadcast %jit3A : f32 to vector<1024x1024xf32>
    %select_n3A_68 = arith.select %le3A_63, %get3A_66, %broadcast_in_dim3A_67 : vector<1024x1024xi1>, vector<1024x1024xf32>
    %reduce_min3A_69 = arith.constant dense<0x7F800000> : vector<1024xf32>
    %reduce_min3A_70 = vector.multi_reduction <minimumf>, %select_n3A_68, %reduce_min3A_69 [0] : vector<1024x1024xf32> to vector<1024xf32>
    %lt3A = arith.cmpf olt, %sqrt3A, %broadcast_in_dim3A_9 : vector<1024xf32>
    %add3A_71 = arith.constant 0.000000e+00 : f32
    %add3A_72 = vector.broadcast %add3A_71 : f32 to vector<1024xf32>
    %add3A_73 = arith.addf %reduce_min3A_70, %add3A_72 : vector<1024xf32>
    %select_n3A_74 = arith.select %lt3A, %add3A_73, %broadcast_in_dim3A_11 : vector<1024xi1>, vector<1024xf32>
    %select_n3A_75 = arith.select %lt3A, %sqrt3A, %broadcast_in_dim3A_9 : vector<1024xi1>, vector<1024xf32>
    %get3A_76 = arith.constant 1024 : index
    %get3A_77 = arith.constant 0 : index
    %get3A_78 = vector.load %arg2[%get3A_76, %get3A_77] : memref<8192x256xf32, #tpu.memory_space<vmem>>, vector<1024x256xf32>
    %dot_general3A_79 = arith.constant dense<0.000000e+00> : vector<1024x1024xf32>
    %dot_general3A_80 = tpu.matmul %get3A_78, %mul3A_5, %dot_general3A_79 {dimension_numbers = #tpu.dot_dimension_numbers<[1], [1], [0], [0], [0, 0, 1, 0], [], []>, transpose_lhs_hint = false} : vector<1024x256xf32>, vector<1024x256xf32>, vector<1024x1024xf32> -> vector<1024x1024xf32>
    %get3A_81 = arith.constant 1024 : index
    %get3A_82 = arith.constant 0 : index
    %get3A_83 = vector.load %arg6[%get3A_81, %get3A_82] : memref<8192x1xf32, #tpu.memory_space<vmem>>, vector<1024x1xf32>
    %add3A_84 = vector.broadcast %get3A_8 : vector<1x1024xf32> to vector<1024x1024xf32>
    %add3A_85 = vector.broadcast %get3A_83 : vector<1024x1xf32> to vector<1024x1024xf32>
    %add3A_86 = arith.addf %add3A_84, %add3A_85 : vector<1024x1024xf32>
    %sub3A_87 = arith.subf %add3A_86, %dot_general3A_80 : vector<1024x1024xf32>
    %reduce_min3A_88 = arith.constant dense<0x7F800000> : vector<1024xf32>
    %reduce_min3A_89 = vector.multi_reduction <minimumf>, %sub3A_87, %reduce_min3A_88 [0] : vector<1024x1024xf32> to vector<1024xf32>
    %max3A_90 = arith.constant 0.000000e+00 : f32
    %max3A_91 = vector.broadcast %max3A_90 : f32 to vector<1024xf32>
    %max3A_92 = arith.maximumf %reduce_min3A_89, %max3A_91 : vector<1024xf32>
    %sqrt3A_93 = math.sqrt %max3A_92 : vector<1024xf32>
    %bitcast_convert_type3A_94 = tpu.bitcast %sqrt3A_93 : vector<1024xf32> -> vector<1024xi32>
    %add3A_95 = arith.constant 1 : i32
    %add3A_96 = vector.broadcast %add3A_95 : i32 to vector<1024xi32>
    %add3A_97 = arith.addi %bitcast_convert_type3A_94, %add3A_96 : vector<1024xi32>
    %bitcast_convert_type3A_98 = tpu.bitcast %add3A_97 : vector<1024xi32> -> vector<1024xf32>
    %mul3A_99 = arith.mulf %sqrt3A_93, %bitcast_convert_type3A_98 : vector<1024xf32>
    %bitcast_convert_type3A_100 = tpu.bitcast %mul3A_99 : vector<1024xf32> -> vector<1024xi32>
    %broadcast_in_dim3A_101 = arith.constant 0.000000e+00 : f32
    %broadcast_in_dim3A_102 = vector.broadcast %broadcast_in_dim3A_101 : f32 to vector<1024xf32>
    %add3A_103 = arith.constant -1 : i32
    %add3A_104 = vector.broadcast %add3A_103 : i32 to vector<1024xi32>
    %add3A_105 = arith.addi %bitcast_convert_type3A_100, %add3A_104 : vector<1024xi32>
    %max3A_106 = arith.constant 0 : i32
    %max3A_107 = vector.broadcast %max3A_106 : i32 to vector<1024xi32>
    %max3A_108 = arith.maxsi %add3A_105, %max3A_107 : vector<1024xi32>
    %bitcast_convert_type3A_109 = tpu.bitcast %max3A_108 : vector<1024xi32> -> vector<1024xf32>
    %sqrt3A_110 = math.sqrt %bitcast_convert_type3A_109 : vector<1024xf32>
    %eq3A_111 = arith.cmpf oeq, %sqrt3A_110, %sqrt3A_93 : vector<1024xf32>
    %select_n3A_112 = arith.select %eq3A_111, %bitcast_convert_type3A_109, %broadcast_in_dim3A_102 : vector<1024xi1>, vector<1024xf32>
    %add3A_113 = arith.constant 0 : i32
    %add3A_114 = vector.broadcast %add3A_113 : i32 to vector<1024xi32>
    %add3A_115 = arith.addi %bitcast_convert_type3A_100, %add3A_114 : vector<1024xi32>
    %max3A_116 = arith.constant 0 : i32
    %max3A_117 = vector.broadcast %max3A_116 : i32 to vector<1024xi32>
    %max3A_118 = arith.maxsi %add3A_115, %max3A_117 : vector<1024xi32>
    %bitcast_convert_type3A_119 = tpu.bitcast %max3A_118 : vector<1024xi32> -> vector<1024xf32>
    %sqrt3A_120 = math.sqrt %bitcast_convert_type3A_119 : vector<1024xf32>
    %eq3A_121 = arith.cmpf oeq, %sqrt3A_120, %sqrt3A_93 : vector<1024xf32>
    %select_n3A_122 = arith.select %eq3A_121, %bitcast_convert_type3A_119, %select_n3A_112 : vector<1024xi1>, vector<1024xf32>
    %add3A_123 = arith.constant 1 : i32
    %add3A_124 = vector.broadcast %add3A_123 : i32 to vector<1024xi32>
    %add3A_125 = arith.addi %bitcast_convert_type3A_100, %add3A_124 : vector<1024xi32>
    %max3A_126 = arith.constant 0 : i32
    %max3A_127 = vector.broadcast %max3A_126 : i32 to vector<1024xi32>
    %max3A_128 = arith.maxsi %add3A_125, %max3A_127 : vector<1024xi32>
    %bitcast_convert_type3A_129 = tpu.bitcast %max3A_128 : vector<1024xi32> -> vector<1024xf32>
    %sqrt3A_130 = math.sqrt %bitcast_convert_type3A_129 : vector<1024xf32>
    %eq3A_131 = arith.cmpf oeq, %sqrt3A_130, %sqrt3A_93 : vector<1024xf32>
    %select_n3A_132 = arith.select %eq3A_131, %bitcast_convert_type3A_129, %select_n3A_122 : vector<1024xi1>, vector<1024xf32>
    %max3A_133 = arith.maximumf %select_n3A_132, %max3A_92 : vector<1024xf32>
    %broadcast_in_dim3A_134 = vector.shape_cast %max3A_133 : vector<1024xf32> to vector<1x1024xf32>
    %le3A_135 = vector.broadcast %broadcast_in_dim3A_134 : vector<1x1024xf32> to vector<1024x1024xf32>
    %le3A_136 = arith.cmpf ole, %sub3A_87, %le3A_135 : vector<1024x1024xf32>
    %get3A_137 = arith.constant 0 : index
    %get3A_138 = arith.constant 0 : index
    %get3A_139 = vector.load %arg5[%get3A_137, %get3A_138] : memref<1024x1024xf32, #tpu.memory_space<vmem>>, vector<1024x1024xf32>
    %jit3A_140 = arith.constant 0x7F800000 : f32
    %broadcast_in_dim3A_141 = vector.broadcast %jit3A_140 : f32 to vector<1024x1024xf32>
    %select_n3A_142 = arith.select %le3A_136, %get3A_139, %broadcast_in_dim3A_141 : vector<1024x1024xi1>, vector<1024x1024xf32>
    %reduce_min3A_143 = arith.constant dense<0x7F800000> : vector<1024xf32>
    %reduce_min3A_144 = vector.multi_reduction <minimumf>, %select_n3A_142, %reduce_min3A_143 [0] : vector<1024x1024xf32> to vector<1024xf32>
    %lt3A_145 = arith.cmpf olt, %sqrt3A_93, %select_n3A_75 : vector<1024xf32>
    %add3A_146 = arith.constant 1.024000e+03 : f32
    %add3A_147 = vector.broadcast %add3A_146 : f32 to vector<1024xf32>
    %add3A_148 = arith.addf %reduce_min3A_144, %add3A_147 : vector<1024xf32>
    %select_n3A_149 = arith.select %lt3A_145, %add3A_148, %select_n3A_74 : vector<1024xi1>, vector<1024xf32>
    %select_n3A_150 = arith.select %lt3A_145, %sqrt3A_93, %select_n3A_75 : vector<1024xi1>, vector<1024xf32>
    %get3A_151 = arith.constant 2048 : index
    %get3A_152 = arith.constant 0 : index
    %get3A_153 = vector.load %arg2[%get3A_151, %get3A_152] : memref<8192x256xf32, #tpu.memory_space<vmem>>, vector<1024x256xf32>
    %dot_general3A_154 = arith.constant dense<0.000000e+00> : vector<1024x1024xf32>
    %dot_general3A_155 = tpu.matmul %get3A_153, %mul3A_5, %dot_general3A_154 {dimension_numbers = #tpu.dot_dimension_numbers<[1], [1], [0], [0], [0, 0, 1, 0], [], []>, transpose_lhs_hint = false} : vector<1024x256xf32>, vector<1024x256xf32>, vector<1024x1024xf32> -> vector<1024x1024xf32>
    %get3A_156 = arith.constant 2048 : index
    %get3A_157 = arith.constant 0 : index
    %get3A_158 = vector.load %arg6[%get3A_156, %get3A_157] : memref<8192x1xf32, #tpu.memory_space<vmem>>, vector<1024x1xf32>
    %add3A_159 = vector.broadcast %get3A_8 : vector<1x1024xf32> to vector<1024x1024xf32>
    %add3A_160 = vector.broadcast %get3A_158 : vector<1024x1xf32> to vector<1024x1024xf32>
    %add3A_161 = arith.addf %add3A_159, %add3A_160 : vector<1024x1024xf32>
    %sub3A_162 = arith.subf %add3A_161, %dot_general3A_155 : vector<1024x1024xf32>
    %reduce_min3A_163 = arith.constant dense<0x7F800000> : vector<1024xf32>
    %reduce_min3A_164 = vector.multi_reduction <minimumf>, %sub3A_162, %reduce_min3A_163 [0] : vector<1024x1024xf32> to vector<1024xf32>
    %max3A_165 = arith.constant 0.000000e+00 : f32
    %max3A_166 = vector.broadcast %max3A_165 : f32 to vector<1024xf32>
    %max3A_167 = arith.maximumf %reduce_min3A_164, %max3A_166 : vector<1024xf32>
    %sqrt3A_168 = math.sqrt %max3A_167 : vector<1024xf32>
    %bitcast_convert_type3A_169 = tpu.bitcast %sqrt3A_168 : vector<1024xf32> -> vector<1024xi32>
    %add3A_170 = arith.constant 1 : i32
    %add3A_171 = vector.broadcast %add3A_170 : i32 to vector<1024xi32>
    %add3A_172 = arith.addi %bitcast_convert_type3A_169, %add3A_171 : vector<1024xi32>
    %bitcast_convert_type3A_173 = tpu.bitcast %add3A_172 : vector<1024xi32> -> vector<1024xf32>
    %mul3A_174 = arith.mulf %sqrt3A_168, %bitcast_convert_type3A_173 : vector<1024xf32>
    %bitcast_convert_type3A_175 = tpu.bitcast %mul3A_174 : vector<1024xf32> -> vector<1024xi32>
    %broadcast_in_dim3A_176 = arith.constant 0.000000e+00 : f32
    %broadcast_in_dim3A_177 = vector.broadcast %broadcast_in_dim3A_176 : f32 to vector<1024xf32>
    %add3A_178 = arith.constant -1 : i32
    %add3A_179 = vector.broadcast %add3A_178 : i32 to vector<1024xi32>
    %add3A_180 = arith.addi %bitcast_convert_type3A_175, %add3A_179 : vector<1024xi32>
    %max3A_181 = arith.constant 0 : i32
    %max3A_182 = vector.broadcast %max3A_181 : i32 to vector<1024xi32>
    %max3A_183 = arith.maxsi %add3A_180, %max3A_182 : vector<1024xi32>
    %bitcast_convert_type3A_184 = tpu.bitcast %max3A_183 : vector<1024xi32> -> vector<1024xf32>
    %sqrt3A_185 = math.sqrt %bitcast_convert_type3A_184 : vector<1024xf32>
    %eq3A_186 = arith.cmpf oeq, %sqrt3A_185, %sqrt3A_168 : vector<1024xf32>
    %select_n3A_187 = arith.select %eq3A_186, %bitcast_convert_type3A_184, %broadcast_in_dim3A_177 : vector<1024xi1>, vector<1024xf32>
    %add3A_188 = arith.constant 0 : i32
    %add3A_189 = vector.broadcast %add3A_188 : i32 to vector<1024xi32>
    %add3A_190 = arith.addi %bitcast_convert_type3A_175, %add3A_189 : vector<1024xi32>
    %max3A_191 = arith.constant 0 : i32
    %max3A_192 = vector.broadcast %max3A_191 : i32 to vector<1024xi32>
    %max3A_193 = arith.maxsi %add3A_190, %max3A_192 : vector<1024xi32>
    %bitcast_convert_type3A_194 = tpu.bitcast %max3A_193 : vector<1024xi32> -> vector<1024xf32>
    %sqrt3A_195 = math.sqrt %bitcast_convert_type3A_194 : vector<1024xf32>
    %eq3A_196 = arith.cmpf oeq, %sqrt3A_195, %sqrt3A_168 : vector<1024xf32>
    %select_n3A_197 = arith.select %eq3A_196, %bitcast_convert_type3A_194, %select_n3A_187 : vector<1024xi1>, vector<1024xf32>
    %add3A_198 = arith.constant 1 : i32
    %add3A_199 = vector.broadcast %add3A_198 : i32 to vector<1024xi32>
    %add3A_200 = arith.addi %bitcast_convert_type3A_175, %add3A_199 : vector<1024xi32>
    %max3A_201 = arith.constant 0 : i32
    %max3A_202 = vector.broadcast %max3A_201 : i32 to vector<1024xi32>
    %max3A_203 = arith.maxsi %add3A_200, %max3A_202 : vector<1024xi32>
    %bitcast_convert_type3A_204 = tpu.bitcast %max3A_203 : vector<1024xi32> -> vector<1024xf32>
    %sqrt3A_205 = math.sqrt %bitcast_convert_type3A_204 : vector<1024xf32>
    %eq3A_206 = arith.cmpf oeq, %sqrt3A_205, %sqrt3A_168 : vector<1024xf32>
    %select_n3A_207 = arith.select %eq3A_206, %bitcast_convert_type3A_204, %select_n3A_197 : vector<1024xi1>, vector<1024xf32>
    %max3A_208 = arith.maximumf %select_n3A_207, %max3A_167 : vector<1024xf32>
    %broadcast_in_dim3A_209 = vector.shape_cast %max3A_208 : vector<1024xf32> to vector<1x1024xf32>
    %le3A_210 = vector.broadcast %broadcast_in_dim3A_209 : vector<1x1024xf32> to vector<1024x1024xf32>
    %le3A_211 = arith.cmpf ole, %sub3A_162, %le3A_210 : vector<1024x1024xf32>
    %get3A_212 = arith.constant 0 : index
    %get3A_213 = arith.constant 0 : index
    %get3A_214 = vector.load %arg5[%get3A_212, %get3A_213] : memref<1024x1024xf32, #tpu.memory_space<vmem>>, vector<1024x1024xf32>
    %jit3A_215 = arith.constant 0x7F800000 : f32
    %broadcast_in_dim3A_216 = vector.broadcast %jit3A_215 : f32 to vector<1024x1024xf32>
    %select_n3A_217 = arith.select %le3A_211, %get3A_214, %broadcast_in_dim3A_216 : vector<1024x1024xi1>, vector<1024x1024xf32>
    %reduce_min3A_218 = arith.constant dense<0x7F800000> : vector<1024xf32>
    %reduce_min3A_219 = vector.multi_reduction <minimumf>, %select_n3A_217, %reduce_min3A_218 [0] : vector<1024x1024xf32> to vector<1024xf32>
    %lt3A_220 = arith.cmpf olt, %sqrt3A_168, %select_n3A_150 : vector<1024xf32>
    %add3A_221 = arith.constant 2.048000e+03 : f32
    %add3A_222 = vector.broadcast %add3A_221 : f32 to vector<1024xf32>
    %add3A_223 = arith.addf %reduce_min3A_219, %add3A_222 : vector<1024xf32>
    %select_n3A_224 = arith.select %lt3A_220, %add3A_223, %select_n3A_149 : vector<1024xi1>, vector<1024xf32>
    %select_n3A_225 = arith.select %lt3A_220, %sqrt3A_168, %select_n3A_150 : vector<1024xi1>, vector<1024xf32>
    %get3A_226 = arith.constant 3072 : index
    %get3A_227 = arith.constant 0 : index
    %get3A_228 = vector.load %arg2[%get3A_226, %get3A_227] : memref<8192x256xf32, #tpu.memory_space<vmem>>, vector<1024x256xf32>
    %dot_general3A_229 = arith.constant dense<0.000000e+00> : vector<1024x1024xf32>
    %dot_general3A_230 = tpu.matmul %get3A_228, %mul3A_5, %dot_general3A_229 {dimension_numbers = #tpu.dot_dimension_numbers<[1], [1], [0], [0], [0, 0, 1, 0], [], []>, transpose_lhs_hint = false} : vector<1024x256xf32>, vector<1024x256xf32>, vector<1024x1024xf32> -> vector<1024x1024xf32>
    %get3A_231 = arith.constant 3072 : index
    %get3A_232 = arith.constant 0 : index
    %get3A_233 = vector.load %arg6[%get3A_231, %get3A_232] : memref<8192x1xf32, #tpu.memory_space<vmem>>, vector<1024x1xf32>
    %add3A_234 = vector.broadcast %get3A_8 : vector<1x1024xf32> to vector<1024x1024xf32>
    %add3A_235 = vector.broadcast %get3A_233 : vector<1024x1xf32> to vector<1024x1024xf32>
    %add3A_236 = arith.addf %add3A_234, %add3A_235 : vector<1024x1024xf32>
    %sub3A_237 = arith.subf %add3A_236, %dot_general3A_230 : vector<1024x1024xf32>
    %reduce_min3A_238 = arith.constant dense<0x7F800000> : vector<1024xf32>
    %reduce_min3A_239 = vector.multi_reduction <minimumf>, %sub3A_237, %reduce_min3A_238 [0] : vector<1024x1024xf32> to vector<1024xf32>
    %max3A_240 = arith.constant 0.000000e+00 : f32
    %max3A_241 = vector.broadcast %max3A_240 : f32 to vector<1024xf32>
    %max3A_242 = arith.maximumf %reduce_min3A_239, %max3A_241 : vector<1024xf32>
    %sqrt3A_243 = math.sqrt %max3A_242 : vector<1024xf32>
    %bitcast_convert_type3A_244 = tpu.bitcast %sqrt3A_243 : vector<1024xf32> -> vector<1024xi32>
    %add3A_245 = arith.constant 1 : i32
    %add3A_246 = vector.broadcast %add3A_245 : i32 to vector<1024xi32>
    %add3A_247 = arith.addi %bitcast_convert_type3A_244, %add3A_246 : vector<1024xi32>
    %bitcast_convert_type3A_248 = tpu.bitcast %add3A_247 : vector<1024xi32> -> vector<1024xf32>
    %mul3A_249 = arith.mulf %sqrt3A_243, %bitcast_convert_type3A_248 : vector<1024xf32>
    %bitcast_convert_type3A_250 = tpu.bitcast %mul3A_249 : vector<1024xf32> -> vector<1024xi32>
    %broadcast_in_dim3A_251 = arith.constant 0.000000e+00 : f32
    %broadcast_in_dim3A_252 = vector.broadcast %broadcast_in_dim3A_251 : f32 to vector<1024xf32>
    %add3A_253 = arith.constant -1 : i32
    %add3A_254 = vector.broadcast %add3A_253 : i32 to vector<1024xi32>
    %add3A_255 = arith.addi %bitcast_convert_type3A_250, %add3A_254 : vector<1024xi32>
    %max3A_256 = arith.constant 0 : i32
    %max3A_257 = vector.broadcast %max3A_256 : i32 to vector<1024xi32>
    %max3A_258 = arith.maxsi %add3A_255, %max3A_257 : vector<1024xi32>
    %bitcast_convert_type3A_259 = tpu.bitcast %max3A_258 : vector<1024xi32> -> vector<1024xf32>
    %sqrt3A_260 = math.sqrt %bitcast_convert_type3A_259 : vector<1024xf32>
    %eq3A_261 = arith.cmpf oeq, %sqrt3A_260, %sqrt3A_243 : vector<1024xf32>
    %select_n3A_262 = arith.select %eq3A_261, %bitcast_convert_type3A_259, %broadcast_in_dim3A_252 : vector<1024xi1>, vector<1024xf32>
    %add3A_263 = arith.constant 0 : i32
    %add3A_264 = vector.broadcast %add3A_263 : i32 to vector<1024xi32>
    %add3A_265 = arith.addi %bitcast_convert_type3A_250, %add3A_264 : vector<1024xi32>
    %max3A_266 = arith.constant 0 : i32
    %max3A_267 = vector.broadcast %max3A_266 : i32 to vector<1024xi32>
    %max3A_268 = arith.maxsi %add3A_265, %max3A_267 : vector<1024xi32>
    %bitcast_convert_type3A_269 = tpu.bitcast %max3A_268 : vector<1024xi32> -> vector<1024xf32>
    %sqrt3A_270 = math.sqrt %bitcast_convert_type3A_269 : vector<1024xf32>
    %eq3A_271 = arith.cmpf oeq, %sqrt3A_270, %sqrt3A_243 : vector<1024xf32>
    %select_n3A_272 = arith.select %eq3A_271, %bitcast_convert_type3A_269, %select_n3A_262 : vector<1024xi1>, vector<1024xf32>
    %add3A_273 = arith.constant 1 : i32
    %add3A_274 = vector.broadcast %add3A_273 : i32 to vector<1024xi32>
    %add3A_275 = arith.addi %bitcast_convert_type3A_250, %add3A_274 : vector<1024xi32>
    %max3A_276 = arith.constant 0 : i32
    %max3A_277 = vector.broadcast %max3A_276 : i32 to vector<1024xi32>
    %max3A_278 = arith.maxsi %add3A_275, %max3A_277 : vector<1024xi32>
    %bitcast_convert_type3A_279 = tpu.bitcast %max3A_278 : vector<1024xi32> -> vector<1024xf32>
    %sqrt3A_280 = math.sqrt %bitcast_convert_type3A_279 : vector<1024xf32>
    %eq3A_281 = arith.cmpf oeq, %sqrt3A_280, %sqrt3A_243 : vector<1024xf32>
    %select_n3A_282 = arith.select %eq3A_281, %bitcast_convert_type3A_279, %select_n3A_272 : vector<1024xi1>, vector<1024xf32>
    %max3A_283 = arith.maximumf %select_n3A_282, %max3A_242 : vector<1024xf32>
    %broadcast_in_dim3A_284 = vector.shape_cast %max3A_283 : vector<1024xf32> to vector<1x1024xf32>
    %le3A_285 = vector.broadcast %broadcast_in_dim3A_284 : vector<1x1024xf32> to vector<1024x1024xf32>
    %le3A_286 = arith.cmpf ole, %sub3A_237, %le3A_285 : vector<1024x1024xf32>
    %get3A_287 = arith.constant 0 : index
    %get3A_288 = arith.constant 0 : index
    %get3A_289 = vector.load %arg5[%get3A_287, %get3A_288] : memref<1024x1024xf32, #tpu.memory_space<vmem>>, vector<1024x1024xf32>
    %jit3A_290 = arith.constant 0x7F800000 : f32
    %broadcast_in_dim3A_291 = vector.broadcast %jit3A_290 : f32 to vector<1024x1024xf32>
    %select_n3A_292 = arith.select %le3A_286, %get3A_289, %broadcast_in_dim3A_291 : vector<1024x1024xi1>, vector<1024x1024xf32>
    %reduce_min3A_293 = arith.constant dense<0x7F800000> : vector<1024xf32>
    %reduce_min3A_294 = vector.multi_reduction <minimumf>, %select_n3A_292, %reduce_min3A_293 [0] : vector<1024x1024xf32> to vector<1024xf32>
    %lt3A_295 = arith.cmpf olt, %sqrt3A_243, %select_n3A_225 : vector<1024xf32>
    %add3A_296 = arith.constant 3.072000e+03 : f32
    %add3A_297 = vector.broadcast %add3A_296 : f32 to vector<1024xf32>
    %add3A_298 = arith.addf %reduce_min3A_294, %add3A_297 : vector<1024xf32>
    %select_n3A_299 = arith.select %lt3A_295, %add3A_298, %select_n3A_224 : vector<1024xi1>, vector<1024xf32>
    %select_n3A_300 = arith.select %lt3A_295, %sqrt3A_243, %select_n3A_225 : vector<1024xi1>, vector<1024xf32>
    %get3A_301 = arith.constant 4096 : index
    %get3A_302 = arith.constant 0 : index
    %get3A_303 = vector.load %arg2[%get3A_301, %get3A_302] : memref<8192x256xf32, #tpu.memory_space<vmem>>, vector<1024x256xf32>
    %dot_general3A_304 = arith.constant dense<0.000000e+00> : vector<1024x1024xf32>
    %dot_general3A_305 = tpu.matmul %get3A_303, %mul3A_5, %dot_general3A_304 {dimension_numbers = #tpu.dot_dimension_numbers<[1], [1], [0], [0], [0, 0, 1, 0], [], []>, transpose_lhs_hint = false} : vector<1024x256xf32>, vector<1024x256xf32>, vector<1024x1024xf32> -> vector<1024x1024xf32>
    %get3A_306 = arith.constant 4096 : index
    %get3A_307 = arith.constant 0 : index
    %get3A_308 = vector.load %arg6[%get3A_306, %get3A_307] : memref<8192x1xf32, #tpu.memory_space<vmem>>, vector<1024x1xf32>
    %add3A_309 = vector.broadcast %get3A_8 : vector<1x1024xf32> to vector<1024x1024xf32>
    %add3A_310 = vector.broadcast %get3A_308 : vector<1024x1xf32> to vector<1024x1024xf32>
    %add3A_311 = arith.addf %add3A_309, %add3A_310 : vector<1024x1024xf32>
    %sub3A_312 = arith.subf %add3A_311, %dot_general3A_305 : vector<1024x1024xf32>
    %reduce_min3A_313 = arith.constant dense<0x7F800000> : vector<1024xf32>
    %reduce_min3A_314 = vector.multi_reduction <minimumf>, %sub3A_312, %reduce_min3A_313 [0] : vector<1024x1024xf32> to vector<1024xf32>
    %max3A_315 = arith.constant 0.000000e+00 : f32
    %max3A_316 = vector.broadcast %max3A_315 : f32 to vector<1024xf32>
    %max3A_317 = arith.maximumf %reduce_min3A_314, %max3A_316 : vector<1024xf32>
    %sqrt3A_318 = math.sqrt %max3A_317 : vector<1024xf32>
    %bitcast_convert_type3A_319 = tpu.bitcast %sqrt3A_318 : vector<1024xf32> -> vector<1024xi32>
    %add3A_320 = arith.constant 1 : i32
    %add3A_321 = vector.broadcast %add3A_320 : i32 to vector<1024xi32>
    %add3A_322 = arith.addi %bitcast_convert_type3A_319, %add3A_321 : vector<1024xi32>
    %bitcast_convert_type3A_323 = tpu.bitcast %add3A_322 : vector<1024xi32> -> vector<1024xf32>
    %mul3A_324 = arith.mulf %sqrt3A_318, %bitcast_convert_type3A_323 : vector<1024xf32>
    %bitcast_convert_type3A_325 = tpu.bitcast %mul3A_324 : vector<1024xf32> -> vector<1024xi32>
    %broadcast_in_dim3A_326 = arith.constant 0.000000e+00 : f32
    %broadcast_in_dim3A_327 = vector.broadcast %broadcast_in_dim3A_326 : f32 to vector<1024xf32>
    %add3A_328 = arith.constant -1 : i32
    %add3A_329 = vector.broadcast %add3A_328 : i32 to vector<1024xi32>
    %add3A_330 = arith.addi %bitcast_convert_type3A_325, %add3A_329 : vector<1024xi32>
    %max3A_331 = arith.constant 0 : i32
    %max3A_332 = vector.broadcast %max3A_331 : i32 to vector<1024xi32>
    %max3A_333 = arith.maxsi %add3A_330, %max3A_332 : vector<1024xi32>
    %bitcast_convert_type3A_334 = tpu.bitcast %max3A_333 : vector<1024xi32> -> vector<1024xf32>
    %sqrt3A_335 = math.sqrt %bitcast_convert_type3A_334 : vector<1024xf32>
    %eq3A_336 = arith.cmpf oeq, %sqrt3A_335, %sqrt3A_318 : vector<1024xf32>
    %select_n3A_337 = arith.select %eq3A_336, %bitcast_convert_type3A_334, %broadcast_in_dim3A_327 : vector<1024xi1>, vector<1024xf32>
    %add3A_338 = arith.constant 0 : i32
    %add3A_339 = vector.broadcast %add3A_338 : i32 to vector<1024xi32>
    %add3A_340 = arith.addi %bitcast_convert_type3A_325, %add3A_339 : vector<1024xi32>
    %max3A_341 = arith.constant 0 : i32
    %max3A_342 = vector.broadcast %max3A_341 : i32 to vector<1024xi32>
    %max3A_343 = arith.maxsi %add3A_340, %max3A_342 : vector<1024xi32>
    %bitcast_convert_type3A_344 = tpu.bitcast %max3A_343 : vector<1024xi32> -> vector<1024xf32>
    %sqrt3A_345 = math.sqrt %bitcast_convert_type3A_344 : vector<1024xf32>
    %eq3A_346 = arith.cmpf oeq, %sqrt3A_345, %sqrt3A_318 : vector<1024xf32>
    %select_n3A_347 = arith.select %eq3A_346, %bitcast_convert_type3A_344, %select_n3A_337 : vector<1024xi1>, vector<1024xf32>
    %add3A_348 = arith.constant 1 : i32
    %add3A_349 = vector.broadcast %add3A_348 : i32 to vector<1024xi32>
    %add3A_350 = arith.addi %bitcast_convert_type3A_325, %add3A_349 : vector<1024xi32>
    %max3A_351 = arith.constant 0 : i32
    %max3A_352 = vector.broadcast %max3A_351 : i32 to vector<1024xi32>
    %max3A_353 = arith.maxsi %add3A_350, %max3A_352 : vector<1024xi32>
    %bitcast_convert_type3A_354 = tpu.bitcast %max3A_353 : vector<1024xi32> -> vector<1024xf32>
    %sqrt3A_355 = math.sqrt %bitcast_convert_type3A_354 : vector<1024xf32>
    %eq3A_356 = arith.cmpf oeq, %sqrt3A_355, %sqrt3A_318 : vector<1024xf32>
    %select_n3A_357 = arith.select %eq3A_356, %bitcast_convert_type3A_354, %select_n3A_347 : vector<1024xi1>, vector<1024xf32>
    %max3A_358 = arith.maximumf %select_n3A_357, %max3A_317 : vector<1024xf32>
    %broadcast_in_dim3A_359 = vector.shape_cast %max3A_358 : vector<1024xf32> to vector<1x1024xf32>
    %le3A_360 = vector.broadcast %broadcast_in_dim3A_359 : vector<1x1024xf32> to vector<1024x1024xf32>
    %le3A_361 = arith.cmpf ole, %sub3A_312, %le3A_360 : vector<1024x1024xf32>
    %get3A_362 = arith.constant 0 : index
    %get3A_363 = arith.constant 0 : index
    %get3A_364 = vector.load %arg5[%get3A_362, %get3A_363] : memref<1024x1024xf32, #tpu.memory_space<vmem>>, vector<1024x1024xf32>
    %jit3A_365 = arith.constant 0x7F800000 : f32
    %broadcast_in_dim3A_366 = vector.broadcast %jit3A_365 : f32 to vector<1024x1024xf32>
    %select_n3A_367 = arith.select %le3A_361, %get3A_364, %broadcast_in_dim3A_366 : vector<1024x1024xi1>, vector<1024x1024xf32>
    %reduce_min3A_368 = arith.constant dense<0x7F800000> : vector<1024xf32>
    %reduce_min3A_369 = vector.multi_reduction <minimumf>, %select_n3A_367, %reduce_min3A_368 [0] : vector<1024x1024xf32> to vector<1024xf32>
    %lt3A_370 = arith.cmpf olt, %sqrt3A_318, %select_n3A_300 : vector<1024xf32>
    %add3A_371 = arith.constant 4.096000e+03 : f32
    %add3A_372 = vector.broadcast %add3A_371 : f32 to vector<1024xf32>
    %add3A_373 = arith.addf %reduce_min3A_369, %add3A_372 : vector<1024xf32>
    %select_n3A_374 = arith.select %lt3A_370, %add3A_373, %select_n3A_299 : vector<1024xi1>, vector<1024xf32>
    %select_n3A_375 = arith.select %lt3A_370, %sqrt3A_318, %select_n3A_300 : vector<1024xi1>, vector<1024xf32>
    %get3A_376 = arith.constant 5120 : index
    %get3A_377 = arith.constant 0 : index
    %get3A_378 = vector.load %arg2[%get3A_376, %get3A_377] : memref<8192x256xf32, #tpu.memory_space<vmem>>, vector<1024x256xf32>
    %dot_general3A_379 = arith.constant dense<0.000000e+00> : vector<1024x1024xf32>
    %dot_general3A_380 = tpu.matmul %get3A_378, %mul3A_5, %dot_general3A_379 {dimension_numbers = #tpu.dot_dimension_numbers<[1], [1], [0], [0], [0, 0, 1, 0], [], []>, transpose_lhs_hint = false} : vector<1024x256xf32>, vector<1024x256xf32>, vector<1024x1024xf32> -> vector<1024x1024xf32>
    %get3A_381 = arith.constant 5120 : index
    %get3A_382 = arith.constant 0 : index
    %get3A_383 = vector.load %arg6[%get3A_381, %get3A_382] : memref<8192x1xf32, #tpu.memory_space<vmem>>, vector<1024x1xf32>
    %add3A_384 = vector.broadcast %get3A_8 : vector<1x1024xf32> to vector<1024x1024xf32>
    %add3A_385 = vector.broadcast %get3A_383 : vector<1024x1xf32> to vector<1024x1024xf32>
    %add3A_386 = arith.addf %add3A_384, %add3A_385 : vector<1024x1024xf32>
    %sub3A_387 = arith.subf %add3A_386, %dot_general3A_380 : vector<1024x1024xf32>
    %reduce_min3A_388 = arith.constant dense<0x7F800000> : vector<1024xf32>
    %reduce_min3A_389 = vector.multi_reduction <minimumf>, %sub3A_387, %reduce_min3A_388 [0] : vector<1024x1024xf32> to vector<1024xf32>
    %max3A_390 = arith.constant 0.000000e+00 : f32
    %max3A_391 = vector.broadcast %max3A_390 : f32 to vector<1024xf32>
    %max3A_392 = arith.maximumf %reduce_min3A_389, %max3A_391 : vector<1024xf32>
    %sqrt3A_393 = math.sqrt %max3A_392 : vector<1024xf32>
    %bitcast_convert_type3A_394 = tpu.bitcast %sqrt3A_393 : vector<1024xf32> -> vector<1024xi32>
    %add3A_395 = arith.constant 1 : i32
    %add3A_396 = vector.broadcast %add3A_395 : i32 to vector<1024xi32>
    %add3A_397 = arith.addi %bitcast_convert_type3A_394, %add3A_396 : vector<1024xi32>
    %bitcast_convert_type3A_398 = tpu.bitcast %add3A_397 : vector<1024xi32> -> vector<1024xf32>
    %mul3A_399 = arith.mulf %sqrt3A_393, %bitcast_convert_type3A_398 : vector<1024xf32>
    %bitcast_convert_type3A_400 = tpu.bitcast %mul3A_399 : vector<1024xf32> -> vector<1024xi32>
    %broadcast_in_dim3A_401 = arith.constant 0.000000e+00 : f32
    %broadcast_in_dim3A_402 = vector.broadcast %broadcast_in_dim3A_401 : f32 to vector<1024xf32>
    %add3A_403 = arith.constant -1 : i32
    %add3A_404 = vector.broadcast %add3A_403 : i32 to vector<1024xi32>
    %add3A_405 = arith.addi %bitcast_convert_type3A_400, %add3A_404 : vector<1024xi32>
    %max3A_406 = arith.constant 0 : i32
    %max3A_407 = vector.broadcast %max3A_406 : i32 to vector<1024xi32>
    %max3A_408 = arith.maxsi %add3A_405, %max3A_407 : vector<1024xi32>
    %bitcast_convert_type3A_409 = tpu.bitcast %max3A_408 : vector<1024xi32> -> vector<1024xf32>
    %sqrt3A_410 = math.sqrt %bitcast_convert_type3A_409 : vector<1024xf32>
    %eq3A_411 = arith.cmpf oeq, %sqrt3A_410, %sqrt3A_393 : vector<1024xf32>
    %select_n3A_412 = arith.select %eq3A_411, %bitcast_convert_type3A_409, %broadcast_in_dim3A_402 : vector<1024xi1>, vector<1024xf32>
    %add3A_413 = arith.constant 0 : i32
    %add3A_414 = vector.broadcast %add3A_413 : i32 to vector<1024xi32>
    %add3A_415 = arith.addi %bitcast_convert_type3A_400, %add3A_414 : vector<1024xi32>
    %max3A_416 = arith.constant 0 : i32
    %max3A_417 = vector.broadcast %max3A_416 : i32 to vector<1024xi32>
    %max3A_418 = arith.maxsi %add3A_415, %max3A_417 : vector<1024xi32>
    %bitcast_convert_type3A_419 = tpu.bitcast %max3A_418 : vector<1024xi32> -> vector<1024xf32>
    %sqrt3A_420 = math.sqrt %bitcast_convert_type3A_419 : vector<1024xf32>
    %eq3A_421 = arith.cmpf oeq, %sqrt3A_420, %sqrt3A_393 : vector<1024xf32>
    %select_n3A_422 = arith.select %eq3A_421, %bitcast_convert_type3A_419, %select_n3A_412 : vector<1024xi1>, vector<1024xf32>
    %add3A_423 = arith.constant 1 : i32
    %add3A_424 = vector.broadcast %add3A_423 : i32 to vector<1024xi32>
    %add3A_425 = arith.addi %bitcast_convert_type3A_400, %add3A_424 : vector<1024xi32>
    %max3A_426 = arith.constant 0 : i32
    %max3A_427 = vector.broadcast %max3A_426 : i32 to vector<1024xi32>
    %max3A_428 = arith.maxsi %add3A_425, %max3A_427 : vector<1024xi32>
    %bitcast_convert_type3A_429 = tpu.bitcast %max3A_428 : vector<1024xi32> -> vector<1024xf32>
    %sqrt3A_430 = math.sqrt %bitcast_convert_type3A_429 : vector<1024xf32>
    %eq3A_431 = arith.cmpf oeq, %sqrt3A_430, %sqrt3A_393 : vector<1024xf32>
    %select_n3A_432 = arith.select %eq3A_431, %bitcast_convert_type3A_429, %select_n3A_422 : vector<1024xi1>, vector<1024xf32>
    %max3A_433 = arith.maximumf %select_n3A_432, %max3A_392 : vector<1024xf32>
    %broadcast_in_dim3A_434 = vector.shape_cast %max3A_433 : vector<1024xf32> to vector<1x1024xf32>
    %le3A_435 = vector.broadcast %broadcast_in_dim3A_434 : vector<1x1024xf32> to vector<1024x1024xf32>
    %le3A_436 = arith.cmpf ole, %sub3A_387, %le3A_435 : vector<1024x1024xf32>
    %get3A_437 = arith.constant 0 : index
    %get3A_438 = arith.constant 0 : index
    %get3A_439 = vector.load %arg5[%get3A_437, %get3A_438] : memref<1024x1024xf32, #tpu.memory_space<vmem>>, vector<1024x1024xf32>
    %jit3A_440 = arith.constant 0x7F800000 : f32
    %broadcast_in_dim3A_441 = vector.broadcast %jit3A_440 : f32 to vector<1024x1024xf32>
    %select_n3A_442 = arith.select %le3A_436, %get3A_439, %broadcast_in_dim3A_441 : vector<1024x1024xi1>, vector<1024x1024xf32>
    %reduce_min3A_443 = arith.constant dense<0x7F800000> : vector<1024xf32>
    %reduce_min3A_444 = vector.multi_reduction <minimumf>, %select_n3A_442, %reduce_min3A_443 [0] : vector<1024x1024xf32> to vector<1024xf32>
    %lt3A_445 = arith.cmpf olt, %sqrt3A_393, %select_n3A_375 : vector<1024xf32>
    %add3A_446 = arith.constant 5.120000e+03 : f32
    %add3A_447 = vector.broadcast %add3A_446 : f32 to vector<1024xf32>
    %add3A_448 = arith.addf %reduce_min3A_444, %add3A_447 : vector<1024xf32>
    %select_n3A_449 = arith.select %lt3A_445, %add3A_448, %select_n3A_374 : vector<1024xi1>, vector<1024xf32>
    %select_n3A_450 = arith.select %lt3A_445, %sqrt3A_393, %select_n3A_375 : vector<1024xi1>, vector<1024xf32>
    %get3A_451 = arith.constant 6144 : index
    %get3A_452 = arith.constant 0 : index
    %get3A_453 = vector.load %arg2[%get3A_451, %get3A_452] : memref<8192x256xf32, #tpu.memory_space<vmem>>, vector<1024x256xf32>
    %dot_general3A_454 = arith.constant dense<0.000000e+00> : vector<1024x1024xf32>
    %dot_general3A_455 = tpu.matmul %get3A_453, %mul3A_5, %dot_general3A_454 {dimension_numbers = #tpu.dot_dimension_numbers<[1], [1], [0], [0], [0, 0, 1, 0], [], []>, transpose_lhs_hint = false} : vector<1024x256xf32>, vector<1024x256xf32>, vector<1024x1024xf32> -> vector<1024x1024xf32>
    %get3A_456 = arith.constant 6144 : index
    %get3A_457 = arith.constant 0 : index
    %get3A_458 = vector.load %arg6[%get3A_456, %get3A_457] : memref<8192x1xf32, #tpu.memory_space<vmem>>, vector<1024x1xf32>
    %add3A_459 = vector.broadcast %get3A_8 : vector<1x1024xf32> to vector<1024x1024xf32>
    %add3A_460 = vector.broadcast %get3A_458 : vector<1024x1xf32> to vector<1024x1024xf32>
    %add3A_461 = arith.addf %add3A_459, %add3A_460 : vector<1024x1024xf32>
    %sub3A_462 = arith.subf %add3A_461, %dot_general3A_455 : vector<1024x1024xf32>
    %reduce_min3A_463 = arith.constant dense<0x7F800000> : vector<1024xf32>
    %reduce_min3A_464 = vector.multi_reduction <minimumf>, %sub3A_462, %reduce_min3A_463 [0] : vector<1024x1024xf32> to vector<1024xf32>
    %max3A_465 = arith.constant 0.000000e+00 : f32
    %max3A_466 = vector.broadcast %max3A_465 : f32 to vector<1024xf32>
    %max3A_467 = arith.maximumf %reduce_min3A_464, %max3A_466 : vector<1024xf32>
    %sqrt3A_468 = math.sqrt %max3A_467 : vector<1024xf32>
    %bitcast_convert_type3A_469 = tpu.bitcast %sqrt3A_468 : vector<1024xf32> -> vector<1024xi32>
    %add3A_470 = arith.constant 1 : i32
    %add3A_471 = vector.broadcast %add3A_470 : i32 to vector<1024xi32>
    %add3A_472 = arith.addi %bitcast_convert_type3A_469, %add3A_471 : vector<1024xi32>
    %bitcast_convert_type3A_473 = tpu.bitcast %add3A_472 : vector<1024xi32> -> vector<1024xf32>
    %mul3A_474 = arith.mulf %sqrt3A_468, %bitcast_convert_type3A_473 : vector<1024xf32>
    %bitcast_convert_type3A_475 = tpu.bitcast %mul3A_474 : vector<1024xf32> -> vector<1024xi32>
    %broadcast_in_dim3A_476 = arith.constant 0.000000e+00 : f32
    %broadcast_in_dim3A_477 = vector.broadcast %broadcast_in_dim3A_476 : f32 to vector<1024xf32>
    %add3A_478 = arith.constant -1 : i32
    %add3A_479 = vector.broadcast %add3A_478 : i32 to vector<1024xi32>
    %add3A_480 = arith.addi %bitcast_convert_type3A_475, %add3A_479 : vector<1024xi32>
    %max3A_481 = arith.constant 0 : i32
    %max3A_482 = vector.broadcast %max3A_481 : i32 to vector<1024xi32>
    %max3A_483 = arith.maxsi %add3A_480, %max3A_482 : vector<1024xi32>
    %bitcast_convert_type3A_484 = tpu.bitcast %max3A_483 : vector<1024xi32> -> vector<1024xf32>
    %sqrt3A_485 = math.sqrt %bitcast_convert_type3A_484 : vector<1024xf32>
    %eq3A_486 = arith.cmpf oeq, %sqrt3A_485, %sqrt3A_468 : vector<1024xf32>
    %select_n3A_487 = arith.select %eq3A_486, %bitcast_convert_type3A_484, %broadcast_in_dim3A_477 : vector<1024xi1>, vector<1024xf32>
    %add3A_488 = arith.constant 0 : i32
    %add3A_489 = vector.broadcast %add3A_488 : i32 to vector<1024xi32>
    %add3A_490 = arith.addi %bitcast_convert_type3A_475, %add3A_489 : vector<1024xi32>
    %max3A_491 = arith.constant 0 : i32
    %max3A_492 = vector.broadcast %max3A_491 : i32 to vector<1024xi32>
    %max3A_493 = arith.maxsi %add3A_490, %max3A_492 : vector<1024xi32>
    %bitcast_convert_type3A_494 = tpu.bitcast %max3A_493 : vector<1024xi32> -> vector<1024xf32>
    %sqrt3A_495 = math.sqrt %bitcast_convert_type3A_494 : vector<1024xf32>
    %eq3A_496 = arith.cmpf oeq, %sqrt3A_495, %sqrt3A_468 : vector<1024xf32>
    %select_n3A_497 = arith.select %eq3A_496, %bitcast_convert_type3A_494, %select_n3A_487 : vector<1024xi1>, vector<1024xf32>
    %add3A_498 = arith.constant 1 : i32
    %add3A_499 = vector.broadcast %add3A_498 : i32 to vector<1024xi32>
    %add3A_500 = arith.addi %bitcast_convert_type3A_475, %add3A_499 : vector<1024xi32>
    %max3A_501 = arith.constant 0 : i32
    %max3A_502 = vector.broadcast %max3A_501 : i32 to vector<1024xi32>
    %max3A_503 = arith.maxsi %add3A_500, %max3A_502 : vector<1024xi32>
    %bitcast_convert_type3A_504 = tpu.bitcast %max3A_503 : vector<1024xi32> -> vector<1024xf32>
    %sqrt3A_505 = math.sqrt %bitcast_convert_type3A_504 : vector<1024xf32>
    %eq3A_506 = arith.cmpf oeq, %sqrt3A_505, %sqrt3A_468 : vector<1024xf32>
    %select_n3A_507 = arith.select %eq3A_506, %bitcast_convert_type3A_504, %select_n3A_497 : vector<1024xi1>, vector<1024xf32>
    %max3A_508 = arith.maximumf %select_n3A_507, %max3A_467 : vector<1024xf32>
    %broadcast_in_dim3A_509 = vector.shape_cast %max3A_508 : vector<1024xf32> to vector<1x1024xf32>
    %le3A_510 = vector.broadcast %broadcast_in_dim3A_509 : vector<1x1024xf32> to vector<1024x1024xf32>
    %le3A_511 = arith.cmpf ole, %sub3A_462, %le3A_510 : vector<1024x1024xf32>
    %get3A_512 = arith.constant 0 : index
    %get3A_513 = arith.constant 0 : index
    %get3A_514 = vector.load %arg5[%get3A_512, %get3A_513] : memref<1024x1024xf32, #tpu.memory_space<vmem>>, vector<1024x1024xf32>
    %jit3A_515 = arith.constant 0x7F800000 : f32
    %broadcast_in_dim3A_516 = vector.broadcast %jit3A_515 : f32 to vector<1024x1024xf32>
    %select_n3A_517 = arith.select %le3A_511, %get3A_514, %broadcast_in_dim3A_516 : vector<1024x1024xi1>, vector<1024x1024xf32>
    %reduce_min3A_518 = arith.constant dense<0x7F800000> : vector<1024xf32>
    %reduce_min3A_519 = vector.multi_reduction <minimumf>, %select_n3A_517, %reduce_min3A_518 [0] : vector<1024x1024xf32> to vector<1024xf32>
    %lt3A_520 = arith.cmpf olt, %sqrt3A_468, %select_n3A_450 : vector<1024xf32>
    %add3A_521 = arith.constant 6.144000e+03 : f32
    %add3A_522 = vector.broadcast %add3A_521 : f32 to vector<1024xf32>
    %add3A_523 = arith.addf %reduce_min3A_519, %add3A_522 : vector<1024xf32>
    %select_n3A_524 = arith.select %lt3A_520, %add3A_523, %select_n3A_449 : vector<1024xi1>, vector<1024xf32>
    %select_n3A_525 = arith.select %lt3A_520, %sqrt3A_468, %select_n3A_450 : vector<1024xi1>, vector<1024xf32>
    %get3A_526 = arith.constant 7168 : index
    %get3A_527 = arith.constant 0 : index
    %get3A_528 = vector.load %arg2[%get3A_526, %get3A_527] : memref<8192x256xf32, #tpu.memory_space<vmem>>, vector<1024x256xf32>
    %dot_general3A_529 = arith.constant dense<0.000000e+00> : vector<1024x1024xf32>
    %dot_general3A_530 = tpu.matmul %get3A_528, %mul3A_5, %dot_general3A_529 {dimension_numbers = #tpu.dot_dimension_numbers<[1], [1], [0], [0], [0, 0, 1, 0], [], []>, transpose_lhs_hint = false} : vector<1024x256xf32>, vector<1024x256xf32>, vector<1024x1024xf32> -> vector<1024x1024xf32>
    %get3A_531 = arith.constant 7168 : index
    %get3A_532 = arith.constant 0 : index
    %get3A_533 = vector.load %arg6[%get3A_531, %get3A_532] : memref<8192x1xf32, #tpu.memory_space<vmem>>, vector<1024x1xf32>
    %add3A_534 = vector.broadcast %get3A_8 : vector<1x1024xf32> to vector<1024x1024xf32>
    %add3A_535 = vector.broadcast %get3A_533 : vector<1024x1xf32> to vector<1024x1024xf32>
    %add3A_536 = arith.addf %add3A_534, %add3A_535 : vector<1024x1024xf32>
    %sub3A_537 = arith.subf %add3A_536, %dot_general3A_530 : vector<1024x1024xf32>
    %reduce_min3A_538 = arith.constant dense<0x7F800000> : vector<1024xf32>
    %reduce_min3A_539 = vector.multi_reduction <minimumf>, %sub3A_537, %reduce_min3A_538 [0] : vector<1024x1024xf32> to vector<1024xf32>
    %max3A_540 = arith.constant 0.000000e+00 : f32
    %max3A_541 = vector.broadcast %max3A_540 : f32 to vector<1024xf32>
    %max3A_542 = arith.maximumf %reduce_min3A_539, %max3A_541 : vector<1024xf32>
    %sqrt3A_543 = math.sqrt %max3A_542 : vector<1024xf32>
    %bitcast_convert_type3A_544 = tpu.bitcast %sqrt3A_543 : vector<1024xf32> -> vector<1024xi32>
    %add3A_545 = arith.constant 1 : i32
    %add3A_546 = vector.broadcast %add3A_545 : i32 to vector<1024xi32>
    %add3A_547 = arith.addi %bitcast_convert_type3A_544, %add3A_546 : vector<1024xi32>
    %bitcast_convert_type3A_548 = tpu.bitcast %add3A_547 : vector<1024xi32> -> vector<1024xf32>
    %mul3A_549 = arith.mulf %sqrt3A_543, %bitcast_convert_type3A_548 : vector<1024xf32>
    %bitcast_convert_type3A_550 = tpu.bitcast %mul3A_549 : vector<1024xf32> -> vector<1024xi32>
    %broadcast_in_dim3A_551 = arith.constant 0.000000e+00 : f32
    %broadcast_in_dim3A_552 = vector.broadcast %broadcast_in_dim3A_551 : f32 to vector<1024xf32>
    %add3A_553 = arith.constant -1 : i32
    %add3A_554 = vector.broadcast %add3A_553 : i32 to vector<1024xi32>
    %add3A_555 = arith.addi %bitcast_convert_type3A_550, %add3A_554 : vector<1024xi32>
    %max3A_556 = arith.constant 0 : i32
    %max3A_557 = vector.broadcast %max3A_556 : i32 to vector<1024xi32>
    %max3A_558 = arith.maxsi %add3A_555, %max3A_557 : vector<1024xi32>
    %bitcast_convert_type3A_559 = tpu.bitcast %max3A_558 : vector<1024xi32> -> vector<1024xf32>
    %sqrt3A_560 = math.sqrt %bitcast_convert_type3A_559 : vector<1024xf32>
    %eq3A_561 = arith.cmpf oeq, %sqrt3A_560, %sqrt3A_543 : vector<1024xf32>
    %select_n3A_562 = arith.select %eq3A_561, %bitcast_convert_type3A_559, %broadcast_in_dim3A_552 : vector<1024xi1>, vector<1024xf32>
    %add3A_563 = arith.constant 0 : i32
    %add3A_564 = vector.broadcast %add3A_563 : i32 to vector<1024xi32>
    %add3A_565 = arith.addi %bitcast_convert_type3A_550, %add3A_564 : vector<1024xi32>
    %max3A_566 = arith.constant 0 : i32
    %max3A_567 = vector.broadcast %max3A_566 : i32 to vector<1024xi32>
    %max3A_568 = arith.maxsi %add3A_565, %max3A_567 : vector<1024xi32>
    %bitcast_convert_type3A_569 = tpu.bitcast %max3A_568 : vector<1024xi32> -> vector<1024xf32>
    %sqrt3A_570 = math.sqrt %bitcast_convert_type3A_569 : vector<1024xf32>
    %eq3A_571 = arith.cmpf oeq, %sqrt3A_570, %sqrt3A_543 : vector<1024xf32>
    %select_n3A_572 = arith.select %eq3A_571, %bitcast_convert_type3A_569, %select_n3A_562 : vector<1024xi1>, vector<1024xf32>
    %add3A_573 = arith.constant 1 : i32
    %add3A_574 = vector.broadcast %add3A_573 : i32 to vector<1024xi32>
    %add3A_575 = arith.addi %bitcast_convert_type3A_550, %add3A_574 : vector<1024xi32>
    %max3A_576 = arith.constant 0 : i32
    %max3A_577 = vector.broadcast %max3A_576 : i32 to vector<1024xi32>
    %max3A_578 = arith.maxsi %add3A_575, %max3A_577 : vector<1024xi32>
    %bitcast_convert_type3A_579 = tpu.bitcast %max3A_578 : vector<1024xi32> -> vector<1024xf32>
    %sqrt3A_580 = math.sqrt %bitcast_convert_type3A_579 : vector<1024xf32>
    %eq3A_581 = arith.cmpf oeq, %sqrt3A_580, %sqrt3A_543 : vector<1024xf32>
    %select_n3A_582 = arith.select %eq3A_581, %bitcast_convert_type3A_579, %select_n3A_572 : vector<1024xi1>, vector<1024xf32>
    %max3A_583 = arith.maximumf %select_n3A_582, %max3A_542 : vector<1024xf32>
    %broadcast_in_dim3A_584 = vector.shape_cast %max3A_583 : vector<1024xf32> to vector<1x1024xf32>
    %le3A_585 = vector.broadcast %broadcast_in_dim3A_584 : vector<1x1024xf32> to vector<1024x1024xf32>
    %le3A_586 = arith.cmpf ole, %sub3A_537, %le3A_585 : vector<1024x1024xf32>
    %get3A_587 = arith.constant 0 : index
    %get3A_588 = arith.constant 0 : index
    %get3A_589 = vector.load %arg5[%get3A_587, %get3A_588] : memref<1024x1024xf32, #tpu.memory_space<vmem>>, vector<1024x1024xf32>
    %jit3A_590 = arith.constant 0x7F800000 : f32
    %broadcast_in_dim3A_591 = vector.broadcast %jit3A_590 : f32 to vector<1024x1024xf32>
    %select_n3A_592 = arith.select %le3A_586, %get3A_589, %broadcast_in_dim3A_591 : vector<1024x1024xi1>, vector<1024x1024xf32>
    %reduce_min3A_593 = arith.constant dense<0x7F800000> : vector<1024xf32>
    %reduce_min3A_594 = vector.multi_reduction <minimumf>, %select_n3A_592, %reduce_min3A_593 [0] : vector<1024x1024xf32> to vector<1024xf32>
    %lt3A_595 = arith.cmpf olt, %sqrt3A_543, %select_n3A_525 : vector<1024xf32>
    %add3A_596 = arith.constant 7.168000e+03 : f32
    %add3A_597 = vector.broadcast %add3A_596 : f32 to vector<1024xf32>
    %add3A_598 = arith.addf %reduce_min3A_594, %add3A_597 : vector<1024xf32>
    %select_n3A_599 = arith.select %lt3A_595, %add3A_598, %select_n3A_524 : vector<1024xi1>, vector<1024xf32>
    %convert_element_type3A_600 = arith.fptosi %select_n3A_599 : vector<1024xf32> to vector<1024xi32>
    %swap3A = arith.constant 0 : index
    %swap3A_601 = arith.constant 0 : index
    %swap3A_602 = arith.constant 0 : index
    %swap3A_603 = vector.load %arg4[%swap3A, %swap3A_601, %swap3A_602] : memref<1x1x1024xi32, #tpu.memory_space<vmem>>, vector<1x1x1024xi32>
    %swap3A_604 = vector.shape_cast %swap3A_603 : vector<1x1x1024xi32> to vector<1024xi32>
    %swap3A_605 = vector.shape_cast %convert_element_type3A_600 : vector<1024xi32> to vector<1x1x1024xi32>
    tpu.vector_store %arg4[%swap3A, %swap3A_601, %swap3A_602], %swap3A_605 {strides = array<i32>} : memref<1x1x1024xi32, #tpu.memory_space<vmem>>, vector<1x1x1024xi32>,
    return
  }
  func.func @transform_0(%arg0: i32) -> (i32, i32) {
    %c0_i32 = arith.constant 0 : i32
    %c0_i32_0 = arith.constant 0 : i32
    return %arg0, %c0_i32 : i32, i32
  }
  func.func @transform_1(%arg0: i32) -> (i32, i32) {
    %c0_i32 = arith.constant 0 : i32
    %c0_i32_0 = arith.constant 0 : i32
    %c0_i32_1 = arith.constant 0 : i32
    return %c0_i32, %c0_i32_0 : i32, i32
  }
  func.func @transform_2(%arg0: i32) -> (i32, i32) {
    %c0_i32 = arith.constant 0 : i32
    %c0_i32_0 = arith.constant 0 : i32
    return %c0_i32, %arg0 : i32, i32
  }
  func.func @transform_3(%arg0: i32) -> (i32, i32, i32) {
    %c0_i32 = arith.constant 0 : i32
    %c0_i32_0 = arith.constant 0 : i32
    %c0_i32_1 = arith.constant 0 : i32
    return %arg0, %c0_i32, %c0_i32_0 : i32, i32, i32
  }
}

</mosaic_0001>

<sc_bundles>
// kernel: kernel.5.cloned.1.call-start
scs
__scs_entry_jumppad:
0x0: {  	(pc) =	sbr.rel $0x88, $3  }
0x1: {  	(tag) =	ssettag $0x0;
	lr =	simm.s32 $0x1  }
0x2: {  	[smem:$0x3F9F] =	sst lr;
	_ =	strace $0xD0000000  }
0x3: {  	_ = 	snop  }
0x4: {  	_ = 	snop  }
0x5: {  	_ = 	snop  }
0x6: {  	_ = 	snop  }
0x7: {  	_ = 	snop  }
__scs_overlays_trampoline_lowered:
0x8: {  	[smem:$0x3FAE] =	sst s0  }
0x9: {  	[smem:$0x3FAF] =	sst s1  }
0xa: {  	[smem:$0x3FB0] =	sst s2  }
0xb: {  	[smem:$0x3FB1] =	sst s3  }
0xc: {  	[smem:$0x3FB2] =	sst s4  }
0xd: {  	[smem:$0x3FB3] =	sst s5  }
0xe: {  	[smem:$0x3FB4] =	sst s6  }
0xf: {  	[smem:$0x3FB5] =	sst s7  }
0x10: {  	[smem:$0x3FB6] =	sst s8  }
0x11: {  	[smem:$0x3FB7] =	sst s9;
	s0 =	simm.s32 @!p0 $0x0  }
0x12: {  	s1 =	sld [smem:$0x3F9D];
	s0 =	simm.s32 @p0 $0x1  }
0x13: {  	[smem:$0x3FB8] =	sst s0;
	s0 =	simm.s32 @!p1 $0x0  }
0x14: {  	s2 =	sld [smem:$0x3F9C];
	s0 =	simm.s32 @p1 $0x1  }
0x15: {  	[smem:$0x3FB9] =	sst s0;
	s0 =	simm.s32 @!p2 $0x0  }
0x16: {  	s3 =	sld [smem:$0x3FDB];
	s0 =	simm.s32 @p2 $0x1  }
0x17: {  	s4 =	simm.s32 $0x1BF5;
	[smem:$0x3FBB] =	sst s0  }
0x18: {  	s0 =	sld [smem:$0x3F9E];
	_ =	swait.ge [sflag:s4], $0x0  }
0x19: {  	s7 =	sld [smem:$0x3F9F]  }
0x1a: {  	s8 =	sadd.s32 $0xFFFFE003, lr  }
0x1b: {  	s9 =	sadd.s32 $0xFFFFFEF7, lr;
	s5 =	simm.s32 $0xFFFFFFFF;
	p2 =	slt.u32 s8, $0xFFFFF086  }
0x1c: {  	p1 =	slt.u32 s9, $0xF7A;
	s5 =	simm.s32 @!p2 $0x0  }
0x1d: {  	s5 =	simm.s32 @p1 $0x1;
	p0 =	seq.s32 s7, s2  }
0x1e: {  	s7 =	smul.u32 @!p0 $0xF7A, s2;
	p2 =	seq.s32 @!p0 s5, $0x0  }
0x1f: {  	s9 =	smul.u32 $0xF7A, s1;
	s8 =	simm.s32 @!p0 $0x1BF5;
	p2 =	por !p2, p0  }
0x20: {  	[sflag:s8] =	ssyncset.s32 @!p0 $0xFFFFF086;
	s6 =	sadd.s32 @!p0 s3, s7;
	s7 =	simm.s32 @!p0 $0x108  }
0x21: {  	s3 =	sadd.s32 s3, s9;
	s6 =	sadd.s32 @!p0 $0x88, s6;
	s7 =	simm.s32 @p2 $0x1082  }
0x22: {  	[simem:s7], [sflag:s8] =	dma.local @!p0 [hbm:s6], $0xF7A  }
0x23: {  	s9 =	sor.u32 $0xD0000000, s2;
	s6 =	simm.s32 $0x108;
	_ =	swait.ge @!p0 [sflag:s8], $0x0  }
0x24: {  	s3 =	sadd.s32 $0x88, s3;
	s6 =	simm.s32 @!p1 $0x1082;
	[sflag:s4] =	ssyncset.s32 $0xFFFFF086  }
0x25: {  	[simem:s6], [sflag:s4] =	dma.local [hbm:s3], $0xF7A  }
0x26: {  	[smem:$0x3F9F] =	sst s1;
	(tag) =	ssettag s2;
	_ =	strace s9  }
0x27: {  	s1 =	sld [smem:$0x3FAF]  }
0x28: {  	s2 =	sld [smem:$0x3FB0]  }
0x29: {  	s4 =	sld [smem:$0x3FB2]  }
0x2a: {  	p0 =	seq.s32 s5, $0x0;
	s5 =	sld [smem:$0x3FB3]  }
0x2b: {  	s6 =	sld [smem:$0x3FB4]  }
0x2c: {  	s7 =	sld [smem:$0x3FB5]  }
0x2d: {  	s3 =	simm.s32 $0x108;
	s8 =	sld [smem:$0x3FB6]  }
0x2e: {  	s3 =	simm.s32 @!p0 $0x1082;
	s9 =	sld [smem:$0x3FB7]  }
0x2f: {  	lr =	sadd.s32 s0, s3;
	s0 =	sld [smem:$0x3FAE]  }
0x30: {  	s3 =	sld [smem:$0x3FB1]  }
0x31: {  	[smem:$0x3FBA] =	sst s10  }
0x32: {  	s10 =	sld [smem:$0x3FB8];
	_ =	sdelay $0x3  }
0x33: {  	p0 =	seq.s32 s10, $0x1;
	s10 =	sld [smem:$0x3FBA];
	_ =	sdelay $0x3  }
0x34: {  	[smem:$0x3FBA] =	sst s10  }
0x35: {  	s10 =	sld [smem:$0x3FB9];
	_ =	sdelay $0x3  }
0x36: {  	p1 =	seq.s32 s10, $0x1;
	s10 =	sld [smem:$0x3FBA];
	_ =	sdelay $0x3  }
0x37: {  	[smem:$0x3FBA] =	sst s10  }
0x38: {  	s10 =	sld [smem:$0x3FBB]  }
0x39: {  	_ = 	snop;
	(pc) =	sbr.ind lr, $3  }
0x3a: {  	_ = 	snop  }
0x3b: {  	_ = 	snop  }
0x3c: {  	p2 =	seq.s32 s10, $0x1;
	s10 =	sld [smem:$0x3FBA]  }
0x3d: {  	_ =	shalt  }
0x3e: {  	_ =	shalt  }
0x3f: {  	_ =	shalt  }
0x40: {  	_ =	shalt  }
0x41: {  	_ =	shalt  }
0x42: {  	_ =	shalt  }
0x43: {  	_ =	shalt  }
0x44: {  	_ =	shalt  }
0x45: {  	_ =	shalt  }
0x46: {  	_ =	shalt  }
0x47: {  	_ =	shalt  }
0x48: {  	_ =	shalt  }
0x49: {  	_ =	shalt  }
0x4a: {  	_ =	shalt  }
0x4b: {  	_ =	shalt  }
0x4c: {  	_ =	shalt  }
0x4d: {  	_ =	shalt  }
0x4e: {  	_ =	shalt  }
0x4f: {  	_ =	shalt  }
0x50: {  	_ =	shalt  }
0x51: {  	_ =	shalt  }
0x52: {  	_ =	shalt  }
0x53: {  	_ =	shalt  }
0x54: {  	_ =	shalt  }
0x55: {  	_ =	shalt  }
0x56: {  	_ =	shalt  }
0x57: {  	_ =	shalt  }
0x58: {  	_ =	shalt  }
0x59: {  	_ =	shalt  }
0x5a: {  	_ =	shalt  }
0x5b: {  	_ =	shalt  }
0x5c: {  	_ =	shalt  }
0x5d: {  	_ =	shalt  }
0x5e: {  	_ =	shalt  }
0x5f: {  	_ =	shalt  }
0x60: {  	_ =	shalt  }
0x61: {  	_ =	shalt  }
0x62: {  	_ =	shalt  }
0x63: {  	_ =	shalt  }
0x64: {  	_ =	shalt  }
0x65: {  	_ =	shalt  }
0x66: {  	_ =	shalt  }
0x67: {  	_ =	shalt  }
0x68: {  	_ =	shalt  }
0x69: {  	_ =	shalt  }
0x6a: {  	_ =	shalt  }
0x6b: {  	_ =	shalt  }
0x6c: {  	_ =	shalt  }
0x6d: {  	_ =	shalt  }
0x6e: {  	_ =	shalt  }
0x6f: {  	_ =	shalt  }
0x70: {  	_ =	shalt  }
0x71: {  	_ =	shalt  }
0x72: {  	_ =	shalt  }
0x73: {  	_ =	shalt  }
0x74: {  	_ =	shalt  }
0x75: {  	_ =	shalt  }
0x76: {  	_ =	shalt  }
0x77: {  	_ =	shalt  }
0x78: {  	_ =	shalt  }
0x79: {  	_ =	shalt  }
0x7a: {  	_ =	shalt  }
0x7b: {  	_ =	shalt  }
0x7c: {  	_ =	shalt  }
0x7d: {  	_ =	shalt  }
0x7e: {  	_ =	shalt  }
0x7f: {  	_ =	shalt  }
0x80: {  	_ =	shalt  }
0x81: {  	_ =	shalt  }
0x82: {  	_ =	shalt  }
0x83: {  	_ =	shalt  }
0x84: {  	_ =	shalt  }
0x85: {  	_ =	shalt  }
0x86: {  	_ =	shalt  }
0x87: {  	_ =	shalt  }
.Lfunc_end0:
.L_simem_size_0:
called_computation_lowered:
.L_overlay_start_0:
0x88: {  	s2 =	sld [smem:$0x3FD9]  }
0x89: {  	s3 =	sld [smem:$0x3FFE];
	_ =	sdelay $0x1  }
0x8a: {  	s1 =	srdreg.scid  }
0x8b: {  	s0 =	sand.u32 $0x1, s1  }
0x8c: {  	s14 =	sshll.u32 s0, $0xA;
	s2 =	sadd.s32 s3, s2  }
0x8d: {  	s2 =	sadd.s32 s2, s14  }
0x8e: {  	[smem:$0x3FC6] =	sst s2  }
0x8f: {  	_ = 	snop  }
0x90: {  	s2 =	sld [smem:$0x3FD0];
	_ =	sdelay $0x2  }
0x91: {  	s4 =	simm.s32 $0xA;
	s5 =	simm.s32 $0x10;
	s15 =	sld [smem:$0x3FC8]  }
0x92: {  	[smem:s5], [sflag:s4] =	dma.local [hbm:s2], $0x1  }
0x93: {  	_ =	swait.eq [sflag:s4], $0x1  }
0x94: {  	[sflag:s4] =	ssyncset.done $0x0  }
0x95: {  	[sflag:s4] =	ssyncadd.s32 $0xFFFFFFFF  }
0x96: {  	s16 =	sld [smem:$0x10];
	(tm) =	ssettm $0x1  }
0x97: {  	s17 =	sld [smem:$0x3FFB];
	_ =	sdelay $0x3  }
0x98: {  	_ =	strace s17  }
0x99: {  	s4 =	sld [smem:$0x3FFC];
	_ =	sdelay $0x3  }
0x9a: {  	_ =	strace s4  }
0x9b: {  	s4 =	sld [smem:$0x3FFD];
	_ =	sdelay $0x3  }
0x9c: {  	_ =	strace s4  }
0x9d: {  	_ =	strace $0x8FFFFFFF  }
0x9e: {  	s18 =	sld [smem:$0x3FDB];
	_ =	sdelay $0x1  }
0x9f: {  	s19 =	simm.s32 $_scs_section_size  }
0xa0: {  	s6 =	simm.s32 $_size__tile_overlayer_lowered;
	s7 =	simm.s32 $_tile_overlayer_lowered  }
0xa1: {  	s22 =	simm.s32 $0x1BFF;
	s21 =	sshll.u32 s7, $0x1;
	s4 =	sadd.s32 s19, s18  }
0xa2: {  	s8 =	simm.s32 $0x0;
	s20 =	sshll.u32 s6, $0x1;
	s6 =	sadd.s32 s21, s4  }
0xa3: {  	[timem:s8], [sflag:s22] =	dma.local [hbm:s6], s20  }
0xa4: {  	_ =	swait.ge [sflag:s22], s20  }
0xa5: {  	s5 =	ssub.s32 $0x0, s20;
	[sflag:s22] =	ssyncset.done $0x0  }
0xa6: {  	[sflag:s22] =	ssyncadd.s32 s5;
	_ =	sdelay $0x1  }
0xa7: {  	s23 =	simm.s32 $0x1B8B  }
0xa8: {  	_ =	swait.ge [sflag:s23], $0x1  }
0xa9: {  	[sflag:s23] =	ssyncset.done $0x0  }
0xaa: {  	s25 =	simm.s32 $0x1B8E;
	s24 =	sld [smem:$0x3FFE];
	[sflag:s23] =	ssyncadd.s32 $0xFFFFFFFF  }
0xab: {  	s26 =	simm.s32 $execute0_lowered;
	[smem:$0x3FD2] =	sst s25  }
0xac: {  	s6 =	sshll.u32 s26, $0x1;
	_ =	strace $0x80000046;
	[dreg:$0x1] =	wrdreg $0xFFFFFFFF  }
0xad: {  	s28 =	simm.s32 $_size_execute0_lowered;
	s4 =	sadd.s32 s4, s6;
	[dreg:$0x0] =	wrdreg $0x0  }
0xae: {  	s6 =	sshll.u32 s28, $0x1;
	[dreg:$0x2] =	wrdreg s4  }
0xaf: {  	[dreg:$0x3] =	wrdreg s6  }
0xb0: {  	[dreg:$0x4] =	wrdreg $0xC0  }
0xb1: {  	_ =	task [dreg:s8], $0x5FFFF  }
0xb2: {  	[dreg:$0x1] =	wrdreg $0xFFFFFFFF  }
0xb3: {  	[dreg:$0x0] =	wrdreg $0x60  }
0xb4: {  	[dreg:$0x2] =	wrdreg s15  }
0xb5: {  	[dreg:$0x3] =	wrdreg s24  }
0xb6: {  	[dreg:$0x4] =	wrdreg s16  }
0xb7: {  	[dreg:$0x5] =	wrdreg $0x9  }
0xb8: {  	_ =	task.clear_ibuf [dreg:s8], $0x6FFFF;
	_ =	strace $0x90000046  }
0xb9: {  	s29 =	simm.s32 $0x9;
	_ =	strace $0x80000048  }
0xba: {  	_ =	swait.ge [sflag:s29], $0x1  }
0xbb: {  	[sflag:s29] =	ssyncadd.s32 $0xFFFFFFFF  }
0xbc: {  	_ =	strace $0x90000048  }
0xbd: {  	_ =	sfence  }
0xbe: {  	s30 =	sld [smem:$0x0];
	_ =	sdelay $0x2  }
0xbf: {  	s31 =	sshll.u32 s1, $0xD;
	s1 =	sshrl.u32 s1, $0x2  }
0xc0: {  	s3 =	sand.u32 $0x4000, s31;
	s1 =	sadd.s32 s1, s30  }
0xc1: {  	s0 =	sor.u32 s3, s0;
	s1 =	sshll.u32 s1, $0x11  }
0xc2: {  	s0 =	sor.u32 s1, s0  }
0xc3: {  	s0 =	sadd.s32 $0x8F2B, s0  }
0xc4: {  	[sflag:s0] =	ssyncadd.remote.s32 $0x1  }
0xc5: {  	_ =	sfence.sel $0xFFFF  }
0xc6: {  	[dreg:$0x0] =	wrdreg $0xFFFFFFFF;
	(pc) =	sbr.abs _section_cstart, $3  }
0xc7: {  	[dreg:$0x1] =	wrdreg $0xFFFFFFFF  }
0xc8: {  	_ =	task.clear_ibuf [dreg:s8], $0x2FFFF;
	_ =	strace $0x9FFFFFFF  }
0xc9: {  	(tm) =	ssettm $0x7FFFFFFF  }
tec
execute0_lowered:
.L_overlay_start_1:
0x0: {  	(tag) =	ssettag $0x1  }
0x1: {  	s2 =	srdreg.scid;
	s1 =	rddreg [dreg:$0x0]  }
0x2: {  	s0 =	stileid.u32;
	s4 =	rddreg [dreg:$0x1]  }
0x3: {  	s6 =	rddreg [dreg:$0x2];
	s15 =	simm.s32 $0x980;
	s16 =	simm.s32 $0x1180  }
0x4: {  	s17 =	simm.s32 $0x1980;
	s2 =	sand.u32 $0x1, s2;
	s3 =	sshll.u32 s0, $0x1  }
0x5: {  	s18 =	simm.s32 $0x2180;
	s5 =	sor.u32 s2, s3;
	s3 =	simm.s32 $0x0  }
0x6: {  	s19 =	simm.s32 $0x2980;
	s20 =	simm.s32 $0x3180;
	[smem:$0x7FF] =	sst s3  }
0x7: {  	s21 =	simm.s32 $0x3980;
	_ =	strace $0x80000047;
	[dreg:$0x6] =	wrdreg s15  }
0x8: {  	s23 =	simm.s32 $0x4180;
	s24 =	simm.s32 $0x4980;
	[dreg:$0x7] =	wrdreg s16  }
0x9: {  	s25 =	simm.s32 $0x5180;
	s26 =	simm.s32 $0x5980;
	[dreg:$0x8] =	wrdreg s17  }
0xa: {  	s8 =	simm.s32 $0x6980;
	s9 =	simm.s32 $0x7180;
	[dreg:$0x9] =	wrdreg s18  }
0xb: {  	s10 =	simm.s32 $0x7980;
	s11 =	simm.s32 $0x8180;
	[dreg:$0xa] =	wrdreg s19  }
0xc: {  	s12 =	simm.s32 $0x8980;
	s13 =	simm.s32 $0x9180;
	[dreg:$0xb] =	wrdreg s20  }
0xd: {  	s28 =	simm.s32 $0x10180;
	s29 =	simm.s32 $0x10980;
	[dreg:$0xc] =	wrdreg s21  }
0xe: {  	s30 =	simm.s32 $0x11180;
	s31 =	simm.s32 $0x11980;
	[dreg:$0xd] =	wrdreg s23  }
0xf: {  	s2 =	ssub.s32 $0x2, s2;
	s7 =	smul.u32 $0x24, s5;
	[dreg:$0xe] =	wrdreg s24  }
0x10: {  	s5 =	smul.u32 $0x2400, s5;
	s22 =	sshrl.u32 s2, $0x1;
	[dreg:$0xf] =	wrdreg s25  }
0x11: {  	s2 =	ssub.s32 s2, s22;
	[dreg:$0x10] =	wrdreg s26;
	s15 =	simm.s32 $0xA180  }
0x12: {  	s16 =	simm.s32 $0xA980;
	s17 =	simm.s32 $0xB180;
	s18 =	simm.s32 $0xB980  }
0x13: {  	s19 =	simm.s32 $0xC180;
	s20 =	simm.s32 $0xC980;
	s21 =	simm.s32 $0xD180  }
0x14: {  	s22 =	simm.s32 $0xD980;
	s23 =	simm.s32 $0xE180;
	s24 =	simm.s32 $0xE980  }
0x15: {  	s25 =	simm.s32 $0xF180;
	s26 =	simm.s32 $0xF980;
	s4 =	sadd.s32 s7, s4  }
0x16: {  	v2 =	vlaneseq.u32;
	s14 =	sadd.s32 s6, s5;
	s5 =	simm.s32 $0x2;
	s6 =	simm.s32 $0x180  }
0x17: {  	vm0 =	vmmov $0xffff;
	v1 =	vshrl.u32 v2, $0x3;
	s4 =	sadd.s32 $0xA00, s4;
	[dreg:$0x5] =	wrdreg s14;
	s14 =	simm.s32 $0x9980  }
0x18: {  	v0 =	vand.u32 $0x7, v2;
	v2 =	vor.u32 $0x8, v2;
	v1 =	vmul.u32 $0x8, v1;
	[dreg:$0x4] =	wrdreg s4;
	s4 =	smax.u32 s2, $0x1;
	s2 =	simm.s32 $0x1  }
.LBB2_1:
0x19: {  	s0 =	rddreg [dreg:$0x4]  }
0x1a: {  	[tilespmem:s3], [sflag:$0x2] =	stream.linear.gather [hbm4b:s0+s3], $0x120, $0x38;
	[tilespmem:$0x12180] =	vst v63  }
0x1b: {  	_ =	swait.ge [sflag:s5], $0x120  }
0x1c: {  	[sflag:s5] =	ssyncset.done $0x0  }
0x1d: {  	[sflag:s5] =	ssyncadd.s32 $0xFFFFFEE0  }
0x1e: {  	v3 =	vld [tilespmem:$0x0];
	_ =	sdelay $0x4  }
0x1f: {  	v4 =	vshll.u32 v3, $0x1  }
0x20: {  	v3 =	vand.u32 $0x7, v3;
	v4 =	vand.u32 $0xFFFFFFF0, v4  }
0x21: {  	v3 =	vor.u32 v3, v4  }
0x22: {  	v4 =	vperm.xlane v3, v0;
	_ =	sdelay $0x1  }
0x23: {  	v3 =	vperm.xlane v3, v2;
	v4 =	vadd.s32 v1, v4;
	_ =	sdelay $0x1  }
0x24: {  	v3 =	vadd.s32 v1, v3;
	_ =	sdelay $0x2  }
0x25: {  	[tilespmem:s6], [sflag:$0x1] =	stream.indirect_vreg.gather [hbm4b:s1+s3], $0x80, v4, vm0, $0xb8;
	[tilespmem:$0x12180] =	vst v63  }
0x26: {  	s7 =	rddreg [dreg:$0x6]  }
0x27: {  	[tilespmem:s7], [sflag:$0x1] =	stream.indirect_vreg.gather [hbm4b:s1+s3], $0x80, v3, vm0, $0xb8;
	[tilespmem:$0x12180] =	vst v63  }
0x28: {  	v3 =	vld [tilespmem:$0x10];
	_ =	sdelay $0x4  }
0x29: {  	v47 =	vshll.u32 v3, $0x1  }
0x2a: {  	v3 =	vand.u32 $0x7, v3;
	v4 =	vand.u32 $0xFFFFFFF0, v47  }
0x2b: {  	v3 =	vor.u32 v3, v4  }
0x2c: {  	v4 =	vperm.xlane v3, v0;
	_ =	sdelay $0x1  }
0x2d: {  	v3 =	vperm.xlane v3, v2;
	v4 =	vadd.s32 v1, v4;
	_ =	sdelay $0x1  }
0x2e: {  	v3 =	vadd.s32 v1, v3;
	_ =	sdelay $0x1  }
0x2f: {  	s0 =	rddreg [dreg:$0x7]  }
0x30: {  	[tilespmem:s0], [sflag:$0x1] =	stream.indirect_vreg.gather [hbm4b:s1+s3], $0x80, v4, vm0, $0xb8;
	[tilespmem:$0x12180] =	vst v63  }
0x31: {  	s7 =	rddreg [dreg:$0x8]  }
0x32: {  	[tilespmem:s7], [sflag:$0x1] =	stream.indirect_vreg.gather [hbm4b:s1+s3], $0x80, v3, vm0, $0xb8;
	[tilespmem:$0x12180] =	vst v63  }
0x33: {  	v3 =	vld [tilespmem:$0x20];
	_ =	sdelay $0x4  }
0x34: {  	v48 =	vshll.u32 v3, $0x1  }
0x35: {  	v3 =	vand.u32 $0x7, v3;
	v4 =	vand.u32 $0xFFFFFFF0, v48  }
0x36: {  	v3 =	vor.u32 v3, v4  }
0x37: {  	v4 =	vperm.xlane v3, v0;
	_ =	sdelay $0x1  }
0x38: {  	v3 =	vperm.xlane v3, v2;
	v4 =	vadd.s32 v1, v4;
	_ =	sdelay $0x1  }
0x39: {  	v3 =	vadd.s32 v1, v3;
	_ =	sdelay $0x1  }
0x3a: {  	s0 =	rddreg [dreg:$0x9]  }
0x3b: {  	[tilespmem:s0], [sflag:$0x1] =	stream.indirect_vreg.gather [hbm4b:s1+s3], $0x80, v4, vm0, $0xb8;
	[tilespmem:$0x12180] =	vst v63  }
0x3c: {  	s7 =	rddreg [dreg:$0xa]  }
0x3d: {  	[tilespmem:s7], [sflag:$0x1] =	stream.indirect_vreg.gather [hbm4b:s1+s3], $0x80, v3, vm0, $0xb8;
	[tilespmem:$0x12180] =	vst v63  }
0x3e: {  	v3 =	vld [tilespmem:$0x30];
	_ =	sdelay $0x4  }
0x3f: {  	v49 =	vshll.u32 v3, $0x1  }
0x40: {  	v3 =	vand.u32 $0x7, v3;
	v4 =	vand.u32 $0xFFFFFFF0, v49  }
0x41: {  	v3 =	vor.u32 v3, v4  }
0x42: {  	v4 =	vperm.xlane v3, v0;
	_ =	sdelay $0x1  }
0x43: {  	v3 =	vperm.xlane v3, v2;
	v4 =	vadd.s32 v1, v4;
	_ =	sdelay $0x1  }
0x44: {  	v3 =	vadd.s32 v1, v3;
	_ =	sdelay $0x1  }
0x45: {  	s0 =	rddreg [dreg:$0xb]  }
0x46: {  	[tilespmem:s0], [sflag:$0x1] =	stream.indirect_vreg.gather [hbm4b:s1+s3], $0x80, v4, vm0, $0xb8;
	[tilespmem:$0x12180] =	vst v63  }
0x47: {  	s7 =	rddreg [dreg:$0xc]  }
0x48: {  	[tilespmem:s7], [sflag:$0x1] =	stream.indirect_vreg.gather [hbm4b:s1+s3], $0x80, v3, vm0, $0xb8;
	[tilespmem:$0x12180] =	vst v63  }
0x49: {  	v3 =	vld [tilespmem:$0x40];
	_ =	sdelay $0x4  }
0x4a: {  	v50 =	vshll.u32 v3, $0x1  }
0x4b: {  	v3 =	vand.u32 $0x7, v3;
	v4 =	vand.u32 $0xFFFFFFF0, v50  }
0x4c: {  	v3 =	vor.u32 v3, v4  }
0x4d: {  	v4 =	vperm.xlane v3, v0;
	_ =	sdelay $0x1  }
0x4e: {  	v3 =	vperm.xlane v3, v2;
	v4 =	vadd.s32 v1, v4;
	_ =	sdelay $0x1  }
0x4f: {  	v3 =	vadd.s32 v1, v3;
	_ =	sdelay $0x1  }
0x50: {  	s0 =	rddreg [dreg:$0xd]  }
0x51: {  	[tilespmem:s0], [sflag:$0x1] =	stream.indirect_vreg.gather [hbm4b:s1+s3], $0x80, v4, vm0, $0xb8;
	[tilespmem:$0x12180] =	vst v63  }
0x52: {  	s7 =	rddreg [dreg:$0xe]  }
0x53: {  	[tilespmem:s7], [sflag:$0x1] =	stream.indirect_vreg.gather [hbm4b:s1+s3], $0x80, v3, vm0, $0xb8;
	[tilespmem:$0x12180] =	vst v63  }
0x54: {  	v3 =	vld [tilespmem:$0x50];
	_ =	sdelay $0x4  }
0x55: {  	v51 =	vshll.u32 v3, $0x1  }
0x56: {  	v3 =	vand.u32 $0x7, v3;
	v4 =	vand.u32 $0xFFFFFFF0, v51  }
0x57: {  	v3 =	vor.u32 v3, v4  }
0x58: {  	v4 =	vperm.xlane v3, v0;
	_ =	sdelay $0x1  }
0x59: {  	v3 =	vperm.xlane v3, v2;
	v4 =	vadd.s32 v1, v4;
	_ =	sdelay $0x1  }
0x5a: {  	v3 =	vadd.s32 v1, v3;
	_ =	sdelay $0x1  }
0x5b: {  	s0 =	rddreg [dreg:$0xf]  }
0x5c: {  	[tilespmem:s0], [sflag:$0x1] =	stream.indirect_vreg.gather [hbm4b:s1+s3], $0x80, v4, vm0, $0xb8;
	[tilespmem:$0x12180] =	vst v63  }
0x5d: {  	s7 =	rddreg [dreg:$0x10]  }
0x5e: {  	[tilespmem:s7], [sflag:$0x1] =	stream.indirect_vreg.gather [hbm4b:s1+s3], $0x80, v3, vm0, $0xb8;
	[tilespmem:$0x12180] =	vst v63  }
0x5f: {  	v3 =	vld [tilespmem:$0x60];
	_ =	sdelay $0x4  }
0x60: {  	v52 =	vshll.u32 v3, $0x1  }
0x61: {  	v3 =	vand.u32 $0x7, v3;
	v4 =	vand.u32 $0xFFFFFFF0, v52  }
0x62: {  	v3 =	vor.u32 v3, v4  }
0x63: {  	v4 =	vperm.xlane v3, v0;
	_ =	sdelay $0x1  }
0x64: {  	v3 =	vperm.xlane v3, v2;
	v4 =	vadd.s32 v1, v4;
	_ =	sdelay $0x1  }
0x65: {  	v3 =	vadd.s32 v1, v3;
	_ =	sdelay $0x1  }
0x66: {  	s7 =	simm.s32 $0x6180  }
0x67: {  	[tilespmem:s7], [sflag:$0x1] =	stream.indirect_vreg.gather [hbm4b:s1+s3], $0x80, v4, vm0, $0xb8;
	[tilespmem:$0x12180] =	vst v63  }
0x68: {  	_ = 	snop  }
0x69: {  	[tilespmem:s8], [sflag:$0x1] =	stream.indirect_vreg.gather [hbm4b:s1+s3], $0x80, v3, vm0, $0xb8;
	[tilespmem:$0x12180] =	vst v63  }
0x6a: {  	v3 =	vld [tilespmem:$0x70];
	_ =	sdelay $0x4  }
0x6b: {  	v53 =	vshll.u32 v3, $0x1  }
0x6c: {  	v3 =	vand.u32 $0x7, v3;
	v4 =	vand.u32 $0xFFFFFFF0, v53  }
0x6d: {  	v3 =	vor.u32 v3, v4  }
0x6e: {  	v4 =	vperm.xlane v3, v0;
	_ =	sdelay $0x1  }
0x6f: {  	v3 =	vperm.xlane v3, v2;
	v4 =	vadd.s32 v1, v4;
	_ =	sdelay $0x1  }
0x70: {  	v3 =	vadd.s32 v1, v3;
	_ =	sdelay $0x2  }
0x71: {  	[tilespmem:s9], [sflag:$0x1] =	stream.indirect_vreg.gather [hbm4b:s1+s3], $0x80, v4, vm0, $0xb8;
	[tilespmem:$0x12180] =	vst v63  }
0x72: {  	_ = 	snop  }
0x73: {  	[tilespmem:s10], [sflag:$0x1] =	stream.indirect_vreg.gather [hbm4b:s1+s3], $0x80, v3, vm0, $0xb8;
	[tilespmem:$0x12180] =	vst v63  }
0x74: {  	v3 =	vld [tilespmem:$0x80];
	_ =	sdelay $0x4  }
0x75: {  	v54 =	vshll.u32 v3, $0x1  }
0x76: {  	v3 =	vand.u32 $0x7, v3;
	v4 =	vand.u32 $0xFFFFFFF0, v54  }
0x77: {  	v3 =	vor.u32 v3, v4  }
0x78: {  	v4 =	vperm.xlane v3, v0;
	_ =	sdelay $0x1  }
0x79: {  	v3 =	vperm.xlane v3, v2;
	v4 =	vadd.s32 v1, v4;
	_ =	sdelay $0x1  }
0x7a: {  	v3 =	vadd.s32 v1, v3;
	_ =	sdelay $0x2  }
0x7b: {  	[tilespmem:s11], [sflag:$0x1] =	stream.indirect_vreg.gather [hbm4b:s1+s3], $0x80, v4, vm0, $0xb8;
	[tilespmem:$0x12180] =	vst v63  }
0x7c: {  	_ = 	snop  }
0x7d: {  	[tilespmem:s12], [sflag:$0x1] =	stream.indirect_vreg.gather [hbm4b:s1+s3], $0x80, v3, vm0, $0xb8;
	[tilespmem:$0x12180] =	vst v63  }
0x7e: {  	v3 =	vld [tilespmem:$0x90];
	_ =	sdelay $0x4  }
0x7f: {  	v55 =	vshll.u32 v3, $0x1  }
0x80: {  	v3 =	vand.u32 $0x7, v3;
	v4 =	vand.u32 $0xFFFFFFF0, v55  }
0x81: {  	v3 =	vor.u32 v3, v4  }
0x82: {  	v4 =	vperm.xlane v3, v0;
	_ =	sdelay $0x1  }
0x83: {  	v3 =	vperm.xlane v3, v2;
	v4 =	vadd.s32 v1, v4;
	_ =	sdelay $0x1  }
0x84: {  	v3 =	vadd.s32 v1, v3;
	_ =	sdelay $0x2  }
0x85: {  	[tilespmem:s13], [sflag:$0x1] =	stream.indirect_vreg.gather [hbm4b:s1+s3], $0x80, v4, vm0, $0xb8;
	[tilespmem:$0x12180] =	vst v63  }
0x86: {  	_ = 	snop  }
0x87: {  	[tilespmem:s14], [sflag:$0x1] =	stream.indirect_vreg.gather [hbm4b:s1+s3], $0x80, v3, vm0, $0xb8;
	[tilespmem:$0x12180] =	vst v63  }
0x88: {  	v3 =	vld [tilespmem:$0xA0];
	_ =	sdelay $0x4  }
0x89: {  	v56 =	vshll.u32 v3, $0x1  }
0x8a: {  	v3 =	vand.u32 $0x7, v3;
	v4 =	vand.u32 $0xFFFFFFF0, v56  }
0x8b: {  	v3 =	vor.u32 v3, v4  }
0x8c: {  	v4 =	vperm.xlane v3, v0;
	_ =	sdelay $0x1  }
0x8d: {  	v3 =	vperm.xlane v3, v2;
	v4 =	vadd.s32 v1, v4;
	_ =	sdelay $0x1  }
0x8e: {  	v3 =	vadd.s32 v1, v3;
	_ =	sdelay $0x2  }
0x8f: {  	[tilespmem:s15], [sflag:$0x1] =	stream.indirect_vreg.gather [hbm4b:s1+s3], $0x80, v4, vm0, $0xb8;
	[tilespmem:$0x12180] =	vst v63  }
0x90: {  	_ = 	snop  }
0x91: {  	[tilespmem:s16], [sflag:$0x1] =	stream.indirect_vreg.gather [hbm4b:s1+s3], $0x80, v3, vm0, $0xb8;
	[tilespmem:$0x12180] =	vst v63  }
0x92: {  	v3 =	vld [tilespmem:$0xB0];
	_ =	sdelay $0x4  }
0x93: {  	v57 =	vshll.u32 v3, $0x1  }
0x94: {  	v3 =	vand.u32 $0x7, v3;
	v4 =	vand.u32 $0xFFFFFFF0, v57  }
0x95: {  	v3 =	vor.u32 v3, v4  }
0x96: {  	v4 =	vperm.xlane v3, v0;
	_ =	sdelay $0x1  }
0x97: {  	v3 =	vperm.xlane v3, v2;
	v4 =	vadd.s32 v1, v4;
	_ =	sdelay $0x1  }
0x98: {  	v3 =	vadd.s32 v1, v3;
	_ =	sdelay $0x2  }
0x99: {  	[tilespmem:s17], [sflag:$0x1] =	stream.indirect_vreg.gather [hbm4b:s1+s3], $0x80, v4, vm0, $0xb8;
	[tilespmem:$0x12180] =	vst v63  }
0x9a: {  	_ = 	snop  }
0x9b: {  	[tilespmem:s18], [sflag:$0x1] =	stream.indirect_vreg.gather [hbm4b:s1+s3], $0x80, v3, vm0, $0xb8;
	[tilespmem:$0x12180] =	vst v63  }
0x9c: {  	v3 =	vld [tilespmem:$0xC0];
	_ =	sdelay $0x4  }
0x9d: {  	v58 =	vshll.u32 v3, $0x1  }
0x9e: {  	v3 =	vand.u32 $0x7, v3;
	v4 =	vand.u32 $0xFFFFFFF0, v58  }
0x9f: {  	v3 =	vor.u32 v3, v4  }
0xa0: {  	v4 =	vperm.xlane v3, v0;
	_ =	sdelay $0x1  }
0xa1: {  	v3 =	vperm.xlane v3, v2;
	v4 =	vadd.s32 v1, v4;
	_ =	sdelay $0x1  }
0xa2: {  	v3 =	vadd.s32 v1, v3;
	_ =	sdelay $0x2  }
0xa3: {  	[tilespmem:s19], [sflag:$0x1] =	stream.indirect_vreg.gather [hbm4b:s1+s3], $0x80, v4, vm0, $0xb8;
	[tilespmem:$0x12180] =	vst v63  }
0xa4: {  	_ = 	snop  }
0xa5: {  	[tilespmem:s20], [sflag:$0x1] =	stream.indirect_vreg.gather [hbm4b:s1+s3], $0x80, v3, vm0, $0xb8;
	[tilespmem:$0x12180] =	vst v63  }
0xa6: {  	v3 =	vld [tilespmem:$0xD0];
	_ =	sdelay $0x4  }
0xa7: {  	v59 =	vshll.u32 v3, $0x1  }
0xa8: {  	v3 =	vand.u32 $0x7, v3;
	v4 =	vand.u32 $0xFFFFFFF0, v59  }
0xa9: {  	v3 =	vor.u32 v3, v4  }
0xaa: {  	v4 =	vperm.xlane v3, v0;
	_ =	sdelay $0x1  }
0xab: {  	v3 =	vperm.xlane v3, v2;
	v4 =	vadd.s32 v1, v4;
	_ =	sdelay $0x1  }
0xac: {  	v3 =	vadd.s32 v1, v3;
	_ =	sdelay $0x2  }
0xad: {  	[tilespmem:s21], [sflag:$0x1] =	stream.indirect_vreg.gather [hbm4b:s1+s3], $0x80, v4, vm0, $0xb8;
	[tilespmem:$0x12180] =	vst v63  }
0xae: {  	_ = 	snop  }
0xaf: {  	[tilespmem:s22], [sflag:$0x1] =	stream.indirect_vreg.gather [hbm4b:s1+s3], $0x80, v3, vm0, $0xb8;
	[tilespmem:$0x12180] =	vst v63  }
0xb0: {  	v3 =	vld [tilespmem:$0xE0];
	_ =	sdelay $0x4  }
0xb1: {  	v60 =	vshll.u32 v3, $0x1  }
0xb2: {  	v3 =	vand.u32 $0x7, v3;
	v4 =	vand.u32 $0xFFFFFFF0, v60  }
0xb3: {  	v3 =	vor.u32 v3, v4  }
0xb4: {  	v4 =	vperm.xlane v3, v0;
	_ =	sdelay $0x1  }
0xb5: {  	v3 =	vperm.xlane v3, v2;
	v4 =	vadd.s32 v1, v4;
	_ =	sdelay $0x1  }
0xb6: {  	v3 =	vadd.s32 v1, v3;
	_ =	sdelay $0x2  }
0xb7: {  	[tilespmem:s23], [sflag:$0x1] =	stream.indirect_vreg.gather [hbm4b:s1+s3], $0x80, v4, vm0, $0xb8;
	[tilespmem:$0x12180] =	vst v63  }
0xb8: {  	_ = 	snop  }
0xb9: {  	[tilespmem:s24], [sflag:$0x1] =	stream.indirect_vreg.gather [hbm4b:s1+s3], $0x80, v3, vm0, $0xb8;
	[tilespmem:$0x12180] =	vst v63  }
0xba: {  	v3 =	vld [tilespmem:$0xF0];
	_ =	sdelay $0x4  }
0xbb: {  	v61 =	vshll.u32 v3, $0x1  }
0xbc: {  	v3 =	vand.u32 $0x7, v3;
	v4 =	vand.u32 $0xFFFFFFF0, v61  }
0xbd: {  	v3 =	vor.u32 v3, v4  }
0xbe: {  	v4 =	vperm.xlane v3, v0;
	_ =	sdelay $0x1  }
0xbf: {  	v3 =	vperm.xlane v3, v2;
	v4 =	vadd.s32 v1, v4;
	_ =	sdelay $0x1  }
0xc0: {  	v3 =	vadd.s32 v1, v3;
	_ =	sdelay $0x2  }
0xc1: {  	[tilespmem:s25], [sflag:$0x1] =	stream.indirect_vreg.gather [hbm4b:s1+s3], $0x80, v4, vm0, $0xb8;
	[tilespmem:$0x12180] =	vst v63  }
0xc2: {  	_ = 	snop  }
0xc3: {  	[tilespmem:s26], [sflag:$0x1] =	stream.indirect_vreg.gather [hbm4b:s1+s3], $0x80, v3, vm0, $0xb8;
	[tilespmem:$0x12180] =	vst v63  }
0xc4: {  	v3 =	vld [tilespmem:$0x100];
	_ =	sdelay $0x4  }
0xc5: {  	v62 =	vshll.u32 v3, $0x1  }
0xc6: {  	v3 =	vand.u32 $0x7, v3;
	v4 =	vand.u32 $0xFFFFFFF0, v62  }
0xc7: {  	v3 =	vor.u32 v3, v4  }
0xc8: {  	v4 =	vperm.xlane v3, v0;
	_ =	sdelay $0x1  }
0xc9: {  	v3 =	vperm.xlane v3, v2;
	v4 =	vadd.s32 v1, v4;
	_ =	sdelay $0x1  }
0xca: {  	v3 =	vadd.s32 v1, v3;
	_ =	sdelay $0x2  }
0xcb: {  	[tilespmem:s28], [sflag:$0x1] =	stream.indirect_vreg.gather [hbm4b:s1+s3], $0x80, v4, vm0, $0xb8;
	[tilespmem:$0x12180] =	vst v63  }
0xcc: {  	_ = 	snop  }
0xcd: {  	[tilespmem:s29], [sflag:$0x1] =	stream.indirect_vreg.gather [hbm4b:s1+s3], $0x80, v3, vm0, $0xb8;
	[tilespmem:$0x12180] =	vst v63  }
0xce: {  	v3 =	vld [tilespmem:$0x110];
	_ =	sdelay $0x4  }
0xcf: {  	v63 =	vshll.u32 v3, $0x1  }
0xd0: {  	v3 =	vand.u32 $0x7, v3;
	v4 =	vand.u32 $0xFFFFFFF0, v63  }
0xd1: {  	v3 =	vor.u32 v3, v4  }
0xd2: {  	v4 =	vperm.xlane v3, v0;
	_ =	sdelay $0x1  }
0xd3: {  	v3 =	vperm.xlane v3, v2;
	v4 =	vadd.s32 v1, v4;
	_ =	sdelay $0x1  }
0xd4: {  	v3 =	vadd.s32 v1, v3;
	_ =	sdelay $0x2  }
0xd5: {  	[tilespmem:s30], [sflag:$0x1] =	stream.indirect_vreg.gather [hbm4b:s1+s3], $0x80, v4, vm0, $0xb8;
	[tilespmem:$0x12180] =	vst v63  }
0xd6: {  	_ = 	snop  }
0xd7: {  	[tilespmem:s31], [sflag:$0x1] =	stream.indirect_vreg.gather [hbm4b:s1+s3], $0x80, v3, vm0, $0xb8;
	[tilespmem:$0x12180] =	vst v63  }
0xd8: {  	_ =	swait.ge [sflag:s2], $0x12000  }
0xd9: {  	p0 =	sne.s32 s4, $0x1;
	[sflag:s2] =	ssyncset.done $0x0  }
.Ltmp0:
0xda: {  	s7 =	rddreg [dreg:$0x5];
	[sflag:s2] =	ssyncadd.s32 $0xFFFEE000;
	(pc) =	sbr.rel @p0 .LBB2_1-.Ltmp0, $4  }
0xdb: {  	[hbm4b:s7+s3] =	stream.linear.scatter [tilespmem:s6], [sflag:$0x2], $0x12000, $0x38;
	[tilespmem:$0x12180] =	vst v63  }
0xdc: {  	_ =	swait.ge [sflag:s5], $0x12000  }
0xdd: {  	[sflag:s5] =	ssyncset.done $0x0  }
0xde: {  	s4 =	sadd.s32 $0xFFFFFFFF, s4;
	[sflag:s5] =	ssyncadd.s32 $0xFFFEE000  }
0xdf: {  	_ =	sfence.sel $0x180000  }
0xe0: {  	[bflag:$0x0] =	sbarrier.arrive $0xFFFF  }
0xe1: {  	_ =	strace $0x90000047  }
0xe2: {  	s0 =	stileid.u32;
	[bflag:$0x2] =	sbarrier.arrive $0xFFFF  }
0xe3: {  	p0 =	sne.s32 s0, $0x0;
	s0 =	rddreg [dreg:$0x3]  }
0xe4: {  	s0 =	sadd.s32 @!p0 $0x100000, s0  }
0xe5: {  	[sflag:s0] =	ssyncadd.tile.s32 @!p0 $0x1;
	_ =	shalt  }
.Lfunc_end2:
_tile_overlayer_lowered:
.L_overlay_start_2:
0xe6: {  	(tag) =	ssettag $0x2  }
0xe7: {  	s0 =	rddreg [dreg:$0x0];
	s2 =	stileid.u32  }
0xe8: {  	s1 =	rddreg [dreg:$0x1];
	p0 =	sne.s32 s2, $0x0  }
0xe9: {  	s3 =	rddreg [dreg:$0x2];
	[bflag:$0x3] =	sbarrier.arrive $0xFFFF;
	s2 =	simm.s32 @!p0 $0x1C02  }
0xea: {  	[timem:s3], [sflag:s2] =	dma.local @!p0 [hbm:s0], s1  }
0xeb: {  	s0 =	simm.s32 @!p0 $0x2  }
0xec: {  	_ =	swait.ge @!p0 [sflag:s0], s1  }
0xed: {  	s1 =	ssub.s32 @!p0 $0x0, s1;
	[sflag:s0] =	ssyncset.done @!p0 $0x0  }
0xee: {  	[sflag:s0] =	ssyncadd.s32 @!p0 s1  }
0xef: {  	[bflag:$0x3] =	sbarrier.arrive $0xFFFF  }
0xf0: {  	_ =	shalt  }

</sc_bundles>
